<compile_context>
chip_gen: v7x
topology: tpu7x:2x2x1
jax: 0.10.2.dev20260603
libtpu: 0.0.44.dev20260713+nightly
codegen_flags: <defaults>
</compile_context>

<pallas_src>
import functools

import jax
import jax.numpy as jnp
from jax import lax
from jax.experimental import pallas as pl
from jax.experimental.pallas import tpu as pltpu
from jax.experimental.pallas import tpu_sc as plsc

N_CODES = 8192
DIM = 256
B = 32768


M_BLK = 1024
M_STEPS = B // M_BLK


LG = 128
NG = N_CODES // LG


def _prep_body(e_ref, et_ref, en_ref):
    et32 = e_ref[...].T
    et_ref[...] = et32.astype(jnp.bfloat16)
    en_ref[...] = jnp.sum(et32 * et32, axis=0, keepdims=True)


def _prep_call(embeddings):
    return pl.pallas_call(
        _prep_body,
        out_shape=[
            jax.ShapeDtypeStruct((DIM, N_CODES), jnp.bfloat16),
            jax.ShapeDtypeStruct((1, N_CODES), jnp.float32),
        ],
    )(embeddings)


def _argmin_body(z_ref, et_ref, en_ref, idx_ref, loss_ref):
    z = z_ref[...]
    zn = jnp.sum(z * z, axis=1, keepdims=True)
    zm2 = (z * (-2.0)).astype(jnp.bfloat16)
    en = en_ref[...]
    dots = lax.dot_general(zm2, et_ref[...], (((1,), (0,)), ((), ())),
                           preferred_element_type=jnp.float32)
    run_min = jnp.full((M_BLK, LG), jnp.inf, jnp.float32)
    run_grp = jnp.zeros((M_BLK, LG), jnp.int32)
    for g in range(NG):
        d = (zn + dots[:, g * LG:(g + 1) * LG]) + en[:, g * LG:(g + 1) * LG]
        upd = d < run_min
        run_min = jnp.where(upd, d, run_min)
        run_grp = jnp.where(upd, g, run_grp)
    minv = jnp.min(run_min, axis=1, keepdims=True)
    lane = lax.broadcasted_iota(jnp.int32, (M_BLK, LG), 1)
    cand = jnp.where(run_min == minv, run_grp * LG + lane, N_CODES)
    idx_ref[0, 0, :] = jnp.min(cand, axis=1)
    loss_ref[0, 0, 0] = jnp.sum(minv) * (1.0 / (B * DIM))


def _argmin_call(z_e, et_bf, en):
    return pl.pallas_call(
        _argmin_body,
        grid=(M_STEPS,),
        in_specs=[
            pl.BlockSpec((M_BLK, DIM), lambda m: (m, 0)),
            pl.BlockSpec((DIM, N_CODES), lambda m: (0, 0)),
            pl.BlockSpec((1, N_CODES), lambda m: (0, 0)),
        ],
        out_specs=[
            pl.BlockSpec((1, 1, M_BLK), lambda m: (m, 0, 0)),
            pl.BlockSpec(memory_space=pltpu.SMEM, block_shape=(1, 1, 1),
                         index_map=lambda m: (m, 0, 0)),
        ],
        out_shape=[
            jax.ShapeDtypeStruct((M_STEPS, 1, M_BLK), jnp.int32),
            jax.ShapeDtypeStruct((M_STEPS, 1, 1), jnp.float32),
        ],
        compiler_params=pltpu.CompilerParams(
            dimension_semantics=("parallel",)),
    )(z_e, et_bf, en)



NW = 32
BPW = B // NW
CH = 128
NCH = BPW // CH


NB = 3


@functools.cache
def _gather_sc():
    @functools.partial(
        pl.kernel,
        mesh=plsc.VectorSubcoreMesh(core_axis_name="c", subcore_axis_name="s"),
        out_type=jax.ShapeDtypeStruct((B, DIM), jnp.float32),
        scratch_types=[
            pltpu.VMEM((NCH, CH), jnp.int32),
            [pltpu.VMEM((CH, DIM), jnp.float32) for _ in range(NB)],
            [pltpu.SemaphoreType.DMA for _ in range(NB)],
            [pltpu.SemaphoreType.DMA for _ in range(NB)],
        ],
    )
    def gather(table_hbm, idx_hbm, out_hbm, idx_v, rows, gsems, wsems):
        wid = lax.axis_index("s") * 2 + lax.axis_index("c")
        base = wid * BPW
        pltpu.sync_copy(idx_hbm.at[wid], idx_v)
        ghandles = [None] * NCH
        whandles = [None] * NCH
        for j in range(NCH):
            b = j % NB
            if j >= NB:
                whandles[j - NB].wait()
            ghandles[j] = pltpu.async_copy(
                table_hbm.at[idx_v.at[j]], rows[b], gsems[b])
            if j >= 1:
                bp = (j - 1) % NB
                ghandles[j - 1].wait()
                whandles[j - 1] = pltpu.async_copy(
                    rows[bp], out_hbm.at[pl.ds(base + (j - 1) * CH, CH)],
                    wsems[bp])
        ghandles[NCH - 1].wait()
        whandles[NCH - 1] = pltpu.async_copy(
            rows[(NCH - 1) % NB],
            out_hbm.at[pl.ds(base + (NCH - 1) * CH, CH)],
            wsems[(NCH - 1) % NB])
        for j in range(NCH - NB, NCH):
            whandles[j].wait()

    return gather



def kernel(z_e, embeddings):
    et_bf, en = _prep_call(embeddings)
    idx3d, loss = _argmin_call(z_e, et_bf, en)
    indices = idx3d.reshape(B)
    z_q = _gather_sc()(embeddings, indices.reshape(NW, NCH, CH))
    return z_q, indices, jnp.sum(loss.reshape(M_STEPS))

# --- scband reference (transcript-rebuilt; emitter-appended) ---
"""Pipeline reference for scband-vqcodebook-45268955300481 (READ-ONLY COPY).

The authoritative reference and input builder live on the scoring server;
editing this copy changes nothing except your own understanding.
"""

import jax, jax.numpy as jnp
import numpy as np

NUM_CODES = 8192
CODE_DIM = 256
BATCH = 32768


def setup_inputs(seed: int = 0) -> dict:
    key = jax.random.key(seed)
    k1, k2 = jax.random.split(key)
    z_e = jax.random.normal(k1, (BATCH, CODE_DIM), dtype=jnp.float32)
    bound = 1.0 / np.sqrt(float(CODE_DIM))
    embeddings = jax.random.uniform(k2, (NUM_CODES, CODE_DIM), minval=-bound, maxval=bound, dtype=jnp.float32)
    return {"z_e": z_e, "embeddings": embeddings}


def reference(z_e, embeddings):
    # distances[i, j] = ||z_e_i||^2 - 2 z_e_i . e_j + ||e_j||^2
    distances = (jnp.sum(z_e ** 2, axis=1, keepdims=True)
                 - 2.0 * (z_e @ embeddings.T)
                 + jnp.sum(embeddings ** 2, axis=1))
    indices = jnp.argmin(distances, axis=1)
    z_q = jnp.take(embeddings, indices, axis=0)
    z_q_st = z_e + jax.lax.stop_gradient(z_q - z_e)
    commitment_loss = jnp.mean((jax.lax.stop_gradient(z_e) - z_q) ** 2)
    return (z_q_st, indices, commitment_loss)

if __name__ == "__main__":
    import jax
    _d = setup_inputs()
    print(jax.jit(kernel)(*tuple(_d.values())))

</pallas_src>

<mosaic_0001>
#map = affine_map<(d0, d1) -> (0, 0)>
#map1 = affine_map<(d0, d1) -> (0, 0, 0)>
module attributes {stable_mosaic.version = 14 : i64} {
  func.func @gather(%arg0: i32, %arg1: i32, %arg2: memref<8192x256xf32, #tpu.memory_space<hbm>>, %arg3: memref<32x8x128xi32, #tpu.memory_space<hbm>>, %arg4: memref<32768x256xf32, #tpu.memory_space<hbm>>, %arg5: memref<8x128xi32, #tpu.memory_space<vmem>>, %arg6: memref<128x256xf32, #tpu.memory_space<vmem>>, %arg7: memref<128x256xf32, #tpu.memory_space<vmem>>, %arg8: memref<128x256xf32, #tpu.memory_space<vmem>>, %arg9: memref<!tpu.dma_semaphore, #tpu.memory_space<semaphore_mem>>, %arg10: memref<!tpu.dma_semaphore, #tpu.memory_space<semaphore_mem>>, %arg11: memref<!tpu.dma_semaphore, #tpu.memory_space<semaphore_mem>>, %arg12: memref<!tpu.dma_semaphore, #tpu.memory_space<semaphore_mem>>, %arg13: memref<!tpu.dma_semaphore, #tpu.memory_space<semaphore_mem>>, %arg14: memref<!tpu.dma_semaphore, #tpu.memory_space<semaphore_mem>>) attributes {dimension_semantics = [#tpu.dimension_semantics<core_parallel>, #tpu.dimension_semantics<subcore_parallel>], iteration_bounds = array<i64: 2, 16>, scalar_prefetch = 0 : i64, scratch_operands = 10 : i64, tpu.core_type = #tpu.core_type<sc_vector_subcore>, window_params = [{transform_indices = #map}, {transform_indices = #map1}, {transform_indices = #map}]} {
    %mul3A = arith.constant 2 : i32
    %mul3A_0 = arith.muli %arg1, %mul3A : i32
    %add3A = arith.addi %mul3A_0, %arg0 : i32
    %mul3A_1 = arith.constant 1024 : i32
    %mul3A_2 = arith.muli %add3A, %mul3A_1 : i32
    "tpu.region"() ({
      %run_scoped3A = tpu.sem_alloc : memref<!tpu.dma_semaphore, #tpu.memory_space<semaphore_mem>>
      %dma_start3A_193 = arith.constant 0 : i32
      %dma_start3A_194 = arith.constant 0 : i32
      %dma_start3A_195 = tpu.memref_slice %arg3[%add3A, %dma_start3A_193, %dma_start3A_194] : memref<32x8x128xi32, #tpu.memory_space<hbm>> -> memref<1x8x128xi32, #tpu.memory_space<hbm>>
      %dma_start3A_196 = tpu.memref_squeeze %dma_start3A_195 : memref<1x8x128xi32, #tpu.memory_space<hbm>> -> memref<8x128xi32, #tpu.memory_space<hbm>>
      %dma_start3A_197 = arith.constant 0 : i32
      %dma_start3A_198 = arith.constant 0 : i32
      %dma_start3A_199 = tpu.memref_slice %arg3[%add3A, %dma_start3A_197, %dma_start3A_198] : memref<32x8x128xi32, #tpu.memory_space<hbm>> -> memref<1x8x128xi32, #tpu.memory_space<hbm>>
      %dma_start3A_200 = tpu.memref_squeeze %dma_start3A_199 : memref<1x8x128xi32, #tpu.memory_space<hbm>> -> memref<8x128xi32, #tpu.memory_space<hbm>>
      tpu.enqueue_dma source(%dma_start3A_200 : memref<8x128xi32, #tpu.memory_space<hbm>>) target(%arg5 : memref<8x128xi32, #tpu.memory_space<vmem>>) target_semaphore(%run_scoped3A : memref<!tpu.dma_semaphore, #tpu.memory_space<semaphore_mem>>)
      %dma_wait3A_201 = arith.constant 0 : i32
      %dma_wait3A_202 = arith.constant 0 : i32
      %dma_wait3A_203 = tpu.memref_slice %arg3[%add3A, %dma_wait3A_201, %dma_wait3A_202] : memref<32x8x128xi32, #tpu.memory_space<hbm>> -> memref<1x8x128xi32, #tpu.memory_space<hbm>>
      %dma_wait3A_204 = tpu.memref_squeeze %dma_wait3A_203 : memref<1x8x128xi32, #tpu.memory_space<hbm>> -> memref<8x128xi32, #tpu.memory_space<hbm>>
      %dma_wait3A_205 = arith.constant 0 : i32
      %dma_wait3A_206 = arith.constant 0 : i32
      %dma_wait3A_207 = tpu.memref_slice %arg3[%add3A, %dma_wait3A_205, %dma_wait3A_206] : memref<32x8x128xi32, #tpu.memory_space<hbm>> -> memref<1x8x128xi32, #tpu.memory_space<hbm>>
      %dma_wait3A_208 = tpu.memref_squeeze %dma_wait3A_207 : memref<1x8x128xi32, #tpu.memory_space<hbm>> -> memref<8x128xi32, #tpu.memory_space<hbm>>
      tpu.wait_dma2 semaphore(%run_scoped3A : memref<!tpu.dma_semaphore, #tpu.memory_space<semaphore_mem>>) src(%dma_wait3A_208 : memref<8x128xi32, #tpu.memory_space<hbm>>) dst(%arg5 : memref<8x128xi32, #tpu.memory_space<vmem>>)
      tpu.yield
    }) : () -> ()
    %dma_start3A = arith.constant 0 : i32
    %dma_start3A_3 = arith.constant 0 : i32
    %dma_start3A_4 = tpu.memref_slice %arg5[%dma_start3A, %dma_start3A_3] : memref<8x128xi32, #tpu.memory_space<vmem>> -> memref<1x128xi32, #tpu.memory_space<vmem>>
    %dma_start3A_5 = tpu.memref_squeeze %dma_start3A_4 : memref<1x128xi32, #tpu.memory_space<vmem>> -> memref<128xi32, #tpu.memory_space<vmem>>
    %dma_start3A_6 = arith.constant 0 : i32
    %dma_start3A_7 = arith.constant 0 : i32
    %dma_start3A_8 = tpu.memref_slice %arg2[%dma_start3A_6, %dma_start3A_7] : memref<8192x256xf32, #tpu.memory_space<hbm>> -> memref<8192x256xf32, #tpu.memory_space<hbm>>
    tpu.enqueue_indirect_dma source(%dma_start3A_8 : memref<8192x256xf32, #tpu.memory_space<hbm>>) target(%arg6 : memref<128x256xf32, #tpu.memory_space<vmem>>) offsets(%dma_start3A_5 : memref<128xi32, #tpu.memory_space<vmem>>) semaphore(%arg9 : memref<!tpu.dma_semaphore, #tpu.memory_space<semaphore_mem>>)
    %dma_start3A_9 = arith.constant 1 : i32
    %dma_start3A_10 = arith.constant 0 : i32
    %dma_start3A_11 = tpu.memref_slice %arg5[%dma_start3A_9, %dma_start3A_10] : memref<8x128xi32, #tpu.memory_space<vmem>> -> memref<1x128xi32, #tpu.memory_space<vmem>>
    %dma_start3A_12 = tpu.memref_squeeze %dma_start3A_11 : memref<1x128xi32, #tpu.memory_space<vmem>> -> memref<128xi32, #tpu.memory_space<vmem>>
    %dma_start3A_13 = arith.constant 0 : i32
    %dma_start3A_14 = arith.constant 0 : i32
    %dma_start3A_15 = tpu.memref_slice %arg2[%dma_start3A_13, %dma_start3A_14] : memref<8192x256xf32, #tpu.memory_space<hbm>> -> memref<8192x256xf32, #tpu.memory_space<hbm>>
    tpu.enqueue_indirect_dma source(%dma_start3A_15 : memref<8192x256xf32, #tpu.memory_space<hbm>>) target(%arg7 : memref<128x256xf32, #tpu.memory_space<vmem>>) offsets(%dma_start3A_12 : memref<128xi32, #tpu.memory_space<vmem>>) semaphore(%arg10 : memref<!tpu.dma_semaphore, #tpu.memory_space<semaphore_mem>>)
    %dma_wait3A = arith.constant 0 : i32
    %dma_wait3A_16 = arith.constant 0 : i32
    %dma_wait3A_17 = tpu.memref_slice %arg5[%dma_wait3A, %dma_wait3A_16] : memref<8x128xi32, #tpu.memory_space<vmem>> -> memref<1x128xi32, #tpu.memory_space<vmem>>
    %dma_wait3A_18 = tpu.memref_squeeze %dma_wait3A_17 : memref<1x128xi32, #tpu.memory_space<vmem>> -> memref<128xi32, #tpu.memory_space<vmem>>
    %dma_wait3A_19 = arith.constant 0 : i32
    %dma_wait3A_20 = arith.constant 0 : i32
    %dma_wait3A_21 = tpu.memref_slice %arg2[%dma_wait3A_19, %dma_wait3A_20] : memref<8192x256xf32, #tpu.memory_space<hbm>> -> memref<8192x256xf32, #tpu.memory_space<hbm>>
    tpu.wait_indirect_dma semaphore(%arg9 : memref<!tpu.dma_semaphore, #tpu.memory_space<semaphore_mem>>) src(%dma_wait3A_21 : memref<8192x256xf32, #tpu.memory_space<hbm>>) dst(%arg6 : memref<128x256xf32, #tpu.memory_space<vmem>>)
    %add3A_22 = arith.constant 0 : i32
    %add3A_23 = arith.addi %mul3A_2, %add3A_22 : i32
    %dma_start3A_24 = arith.constant 0 : i32
    %dma_start3A_25 = tpu.memref_slice %arg4[%add3A_23, %dma_start3A_24] : memref<32768x256xf32, #tpu.memory_space<hbm>> -> memref<128x256xf32, #tpu.memory_space<hbm>>
    %dma_start3A_26 = arith.constant 0 : i32
    %dma_start3A_27 = tpu.memref_slice %arg4[%add3A_23, %dma_start3A_26] : memref<32768x256xf32, #tpu.memory_space<hbm>> -> memref<128x256xf32, #tpu.memory_space<hbm>>
    tpu.enqueue_dma source(%arg6 : memref<128x256xf32, #tpu.memory_space<vmem>>) target(%dma_start3A_27 : memref<128x256xf32, #tpu.memory_space<hbm>>) target_semaphore(%arg12 : memref<!tpu.dma_semaphore, #tpu.memory_space<semaphore_mem>>)
    %dma_start3A_28 = arith.constant 2 : i32
    %dma_start3A_29 = arith.constant 0 : i32
    %dma_start3A_30 = tpu.memref_slice %arg5[%dma_start3A_28, %dma_start3A_29] : memref<8x128xi32, #tpu.memory_space<vmem>> -> memref<1x128xi32, #tpu.memory_space<vmem>>
    %dma_start3A_31 = tpu.memref_squeeze %dma_start3A_30 : memref<1x128xi32, #tpu.memory_space<vmem>> -> memref<128xi32, #tpu.memory_space<vmem>>
    %dma_start3A_32 = arith.constant 0 : i32
    %dma_start3A_33 = arith.constant 0 : i32
    %dma_start3A_34 = tpu.memref_slice %arg2[%dma_start3A_32, %dma_start3A_33] : memref<8192x256xf32, #tpu.memory_space<hbm>> -> memref<8192x256xf32, #tpu.memory_space<hbm>>
    tpu.enqueue_indirect_dma source(%dma_start3A_34 : memref<8192x256xf32, #tpu.memory_space<hbm>>) target(%arg8 : memref<128x256xf32, #tpu.memory_space<vmem>>) offsets(%dma_start3A_31 : memref<128xi32, #tpu.memory_space<vmem>>) semaphore(%arg11 : memref<!tpu.dma_semaphore, #tpu.memory_space<semaphore_mem>>)
    %dma_wait3A_35 = arith.constant 1 : i32
    %dma_wait3A_36 = arith.constant 0 : i32
    %dma_wait3A_37 = tpu.memref_slice %arg5[%dma_wait3A_35, %dma_wait3A_36] : memref<8x128xi32, #tpu.memory_space<vmem>> -> memref<1x128xi32, #tpu.memory_space<vmem>>
    %dma_wait3A_38 = tpu.memref_squeeze %dma_wait3A_37 : memref<1x128xi32, #tpu.memory_space<vmem>> -> memref<128xi32, #tpu.memory_space<vmem>>
    %dma_wait3A_39 = arith.constant 0 : i32
    %dma_wait3A_40 = arith.constant 0 : i32
    %dma_wait3A_41 = tpu.memref_slice %arg2[%dma_wait3A_39, %dma_wait3A_40] : memref<8192x256xf32, #tpu.memory_space<hbm>> -> memref<8192x256xf32, #tpu.memory_space<hbm>>
    tpu.wait_indirect_dma semaphore(%arg10 : memref<!tpu.dma_semaphore, #tpu.memory_space<semaphore_mem>>) src(%dma_wait3A_41 : memref<8192x256xf32, #tpu.memory_space<hbm>>) dst(%arg7 : memref<128x256xf32, #tpu.memory_space<vmem>>)
    %add3A_42 = arith.constant 128 : i32
    %add3A_43 = arith.addi %mul3A_2, %add3A_42 : i32
    %dma_start3A_44 = arith.constant 0 : i32
    %dma_start3A_45 = tpu.memref_slice %arg4[%add3A_43, %dma_start3A_44] : memref<32768x256xf32, #tpu.memory_space<hbm>> -> memref<128x256xf32, #tpu.memory_space<hbm>>
    %dma_start3A_46 = arith.constant 0 : i32
    %dma_start3A_47 = tpu.memref_slice %arg4[%add3A_43, %dma_start3A_46] : memref<32768x256xf32, #tpu.memory_space<hbm>> -> memref<128x256xf32, #tpu.memory_space<hbm>>
    tpu.enqueue_dma source(%arg7 : memref<128x256xf32, #tpu.memory_space<vmem>>) target(%dma_start3A_47 : memref<128x256xf32, #tpu.memory_space<hbm>>) target_semaphore(%arg13 : memref<!tpu.dma_semaphore, #tpu.memory_space<semaphore_mem>>)
    %dma_wait3A_48 = arith.constant 0 : i32
    %dma_wait3A_49 = tpu.memref_slice %arg4[%add3A_23, %dma_wait3A_48] : memref<32768x256xf32, #tpu.memory_space<hbm>> -> memref<128x256xf32, #tpu.memory_space<hbm>>
    %dma_wait3A_50 = arith.constant 0 : i32
    %dma_wait3A_51 = tpu.memref_slice %arg4[%add3A_23, %dma_wait3A_50] : memref<32768x256xf32, #tpu.memory_space<hbm>> -> memref<128x256xf32, #tpu.memory_space<hbm>>
    tpu.wait_dma2 semaphore(%arg12 : memref<!tpu.dma_semaphore, #tpu.memory_space<semaphore_mem>>) src(%arg6 : memref<128x256xf32, #tpu.memory_space<vmem>>) dst(%dma_wait3A_51 : memref<128x256xf32, #tpu.memory_space<hbm>>)
    %dma_start3A_52 = arith.constant 3 : i32
    %dma_start3A_53 = arith.constant 0 : i32
    %dma_start3A_54 = tpu.memref_slice %arg5[%dma_start3A_52, %dma_start3A_53] : memref<8x128xi32, #tpu.memory_space<vmem>> -> memref<1x128xi32, #tpu.memory_space<vmem>>
    %dma_start3A_55 = tpu.memref_squeeze %dma_start3A_54 : memref<1x128xi32, #tpu.memory_space<vmem>> -> memref<128xi32, #tpu.memory_space<vmem>>
    %dma_start3A_56 = arith.constant 0 : i32
    %dma_start3A_57 = arith.constant 0 : i32
    %dma_start3A_58 = tpu.memref_slice %arg2[%dma_start3A_56, %dma_start3A_57] : memref<8192x256xf32, #tpu.memory_space<hbm>> -> memref<8192x256xf32, #tpu.memory_space<hbm>>
    tpu.enqueue_indirect_dma source(%dma_start3A_58 : memref<8192x256xf32, #tpu.memory_space<hbm>>) target(%arg6 : memref<128x256xf32, #tpu.memory_space<vmem>>) offsets(%dma_start3A_55 : memref<128xi32, #tpu.memory_space<vmem>>) semaphore(%arg9 : memref<!tpu.dma_semaphore, #tpu.memory_space<semaphore_mem>>)
    %dma_wait3A_59 = arith.constant 2 : i32
    %dma_wait3A_60 = arith.constant 0 : i32
    %dma_wait3A_61 = tpu.memref_slice %arg5[%dma_wait3A_59, %dma_wait3A_60] : memref<8x128xi32, #tpu.memory_space<vmem>> -> memref<1x128xi32, #tpu.memory_space<vmem>>
    %dma_wait3A_62 = tpu.memref_squeeze %dma_wait3A_61 : memref<1x128xi32, #tpu.memory_space<vmem>> -> memref<128xi32, #tpu.memory_space<vmem>>
    %dma_wait3A_63 = arith.constant 0 : i32
    %dma_wait3A_64 = arith.constant 0 : i32
    %dma_wait3A_65 = tpu.memref_slice %arg2[%dma_wait3A_63, %dma_wait3A_64] : memref<8192x256xf32, #tpu.memory_space<hbm>> -> memref<8192x256xf32, #tpu.memory_space<hbm>>
    tpu.wait_indirect_dma semaphore(%arg11 : memref<!tpu.dma_semaphore, #tpu.memory_space<semaphore_mem>>) src(%dma_wait3A_65 : memref<8192x256xf32, #tpu.memory_space<hbm>>) dst(%arg8 : memref<128x256xf32, #tpu.memory_space<vmem>>)
    %add3A_66 = arith.constant 256 : i32
    %add3A_67 = arith.addi %mul3A_2, %add3A_66 : i32
    %dma_start3A_68 = arith.constant 0 : i32
    %dma_start3A_69 = tpu.memref_slice %arg4[%add3A_67, %dma_start3A_68] : memref<32768x256xf32, #tpu.memory_space<hbm>> -> memref<128x256xf32, #tpu.memory_space<hbm>>
    %dma_start3A_70 = arith.constant 0 : i32
    %dma_start3A_71 = tpu.memref_slice %arg4[%add3A_67, %dma_start3A_70] : memref<32768x256xf32, #tpu.memory_space<hbm>> -> memref<128x256xf32, #tpu.memory_space<hbm>>
    tpu.enqueue_dma source(%arg8 : memref<128x256xf32, #tpu.memory_space<vmem>>) target(%dma_start3A_71 : memref<128x256xf32, #tpu.memory_space<hbm>>) target_semaphore(%arg14 : memref<!tpu.dma_semaphore, #tpu.memory_space<semaphore_mem>>)
    %dma_wait3A_72 = arith.constant 0 : i32
    %dma_wait3A_73 = tpu.memref_slice %arg4[%add3A_43, %dma_wait3A_72] : memref<32768x256xf32, #tpu.memory_space<hbm>> -> memref<128x256xf32, #tpu.memory_space<hbm>>
    %dma_wait3A_74 = arith.constant 0 : i32
    %dma_wait3A_75 = tpu.memref_slice %arg4[%add3A_43, %dma_wait3A_74] : memref<32768x256xf32, #tpu.memory_space<hbm>> -> memref<128x256xf32, #tpu.memory_space<hbm>>
    tpu.wait_dma2 semaphore(%arg13 : memref<!tpu.dma_semaphore, #tpu.memory_space<semaphore_mem>>) src(%arg7 : memref<128x256xf32, #tpu.memory_space<vmem>>) dst(%dma_wait3A_75 : memref<128x256xf32, #tpu.memory_space<hbm>>)
    %dma_start3A_76 = arith.constant 4 : i32
    %dma_start3A_77 = arith.constant 0 : i32
    %dma_start3A_78 = tpu.memref_slice %arg5[%dma_start3A_76, %dma_start3A_77] : memref<8x128xi32, #tpu.memory_space<vmem>> -> memref<1x128xi32, #tpu.memory_space<vmem>>
    %dma_start3A_79 = tpu.memref_squeeze %dma_start3A_78 : memref<1x128xi32, #tpu.memory_space<vmem>> -> memref<128xi32, #tpu.memory_space<vmem>>
    %dma_start3A_80 = arith.constant 0 : i32
    %dma_start3A_81 = arith.constant 0 : i32
    %dma_start3A_82 = tpu.memref_slice %arg2[%dma_start3A_80, %dma_start3A_81] : memref<8192x256xf32, #tpu.memory_space<hbm>> -> memref<8192x256xf32, #tpu.memory_space<hbm>>
    tpu.enqueue_indirect_dma source(%dma_start3A_82 : memref<8192x256xf32, #tpu.memory_space<hbm>>) target(%arg7 : memref<128x256xf32, #tpu.memory_space<vmem>>) offsets(%dma_start3A_79 : memref<128xi32, #tpu.memory_space<vmem>>) semaphore(%arg10 : memref<!tpu.dma_semaphore, #tpu.memory_space<semaphore_mem>>)
    %dma_wait3A_83 = arith.constant 3 : i32
    %dma_wait3A_84 = arith.constant 0 : i32
    %dma_wait3A_85 = tpu.memref_slice %arg5[%dma_wait3A_83, %dma_wait3A_84] : memref<8x128xi32, #tpu.memory_space<vmem>> -> memref<1x128xi32, #tpu.memory_space<vmem>>
    %dma_wait3A_86 = tpu.memref_squeeze %dma_wait3A_85 : memref<1x128xi32, #tpu.memory_space<vmem>> -> memref<128xi32, #tpu.memory_space<vmem>>
    %dma_wait3A_87 = arith.constant 0 : i32
    %dma_wait3A_88 = arith.constant 0 : i32
    %dma_wait3A_89 = tpu.memref_slice %arg2[%dma_wait3A_87, %dma_wait3A_88] : memref<8192x256xf32, #tpu.memory_space<hbm>> -> memref<8192x256xf32, #tpu.memory_space<hbm>>
    tpu.wait_indirect_dma semaphore(%arg9 : memref<!tpu.dma_semaphore, #tpu.memory_space<semaphore_mem>>) src(%dma_wait3A_89 : memref<8192x256xf32, #tpu.memory_space<hbm>>) dst(%arg6 : memref<128x256xf32, #tpu.memory_space<vmem>>)
    %add3A_90 = arith.constant 384 : i32
    %add3A_91 = arith.addi %mul3A_2, %add3A_90 : i32
    %dma_start3A_92 = arith.constant 0 : i32
    %dma_start3A_93 = tpu.memref_slice %arg4[%add3A_91, %dma_start3A_92] : memref<32768x256xf32, #tpu.memory_space<hbm>> -> memref<128x256xf32, #tpu.memory_space<hbm>>
    %dma_start3A_94 = arith.constant 0 : i32
    %dma_start3A_95 = tpu.memref_slice %arg4[%add3A_91, %dma_start3A_94] : memref<32768x256xf32, #tpu.memory_space<hbm>> -> memref<128x256xf32, #tpu.memory_space<hbm>>
    tpu.enqueue_dma source(%arg6 : memref<128x256xf32, #tpu.memory_space<vmem>>) target(%dma_start3A_95 : memref<128x256xf32, #tpu.memory_space<hbm>>) target_semaphore(%arg12 : memref<!tpu.dma_semaphore, #tpu.memory_space<semaphore_mem>>)
    %dma_wait3A_96 = arith.constant 0 : i32
    %dma_wait3A_97 = tpu.memref_slice %arg4[%add3A_67, %dma_wait3A_96] : memref<32768x256xf32, #tpu.memory_space<hbm>> -> memref<128x256xf32, #tpu.memory_space<hbm>>
    %dma_wait3A_98 = arith.constant 0 : i32
    %dma_wait3A_99 = tpu.memref_slice %arg4[%add3A_67, %dma_wait3A_98] : memref<32768x256xf32, #tpu.memory_space<hbm>> -> memref<128x256xf32, #tpu.memory_space<hbm>>
    tpu.wait_dma2 semaphore(%arg14 : memref<!tpu.dma_semaphore, #tpu.memory_space<semaphore_mem>>) src(%arg8 : memref<128x256xf32, #tpu.memory_space<vmem>>) dst(%dma_wait3A_99 : memref<128x256xf32, #tpu.memory_space<hbm>>)
    %dma_start3A_100 = arith.constant 5 : i32
    %dma_start3A_101 = arith.constant 0 : i32
    %dma_start3A_102 = tpu.memref_slice %arg5[%dma_start3A_100, %dma_start3A_101] : memref<8x128xi32, #tpu.memory_space<vmem>> -> memref<1x128xi32, #tpu.memory_space<vmem>>
    %dma_start3A_103 = tpu.memref_squeeze %dma_start3A_102 : memref<1x128xi32, #tpu.memory_space<vmem>> -> memref<128xi32, #tpu.memory_space<vmem>>
    %dma_start3A_104 = arith.constant 0 : i32
    %dma_start3A_105 = arith.constant 0 : i32
    %dma_start3A_106 = tpu.memref_slice %arg2[%dma_start3A_104, %dma_start3A_105] : memref<8192x256xf32, #tpu.memory_space<hbm>> -> memref<8192x256xf32, #tpu.memory_space<hbm>>
    tpu.enqueue_indirect_dma source(%dma_start3A_106 : memref<8192x256xf32, #tpu.memory_space<hbm>>) target(%arg8 : memref<128x256xf32, #tpu.memory_space<vmem>>) offsets(%dma_start3A_103 : memref<128xi32, #tpu.memory_space<vmem>>) semaphore(%arg11 : memref<!tpu.dma_semaphore, #tpu.memory_space<semaphore_mem>>)
    %dma_wait3A_107 = arith.constant 4 : i32
    %dma_wait3A_108 = arith.constant 0 : i32
    %dma_wait3A_109 = tpu.memref_slice %arg5[%dma_wait3A_107, %dma_wait3A_108] : memref<8x128xi32, #tpu.memory_space<vmem>> -> memref<1x128xi32, #tpu.memory_space<vmem>>
    %dma_wait3A_110 = tpu.memref_squeeze %dma_wait3A_109 : memref<1x128xi32, #tpu.memory_space<vmem>> -> memref<128xi32, #tpu.memory_space<vmem>>
    %dma_wait3A_111 = arith.constant 0 : i32
    %dma_wait3A_112 = arith.constant 0 : i32
    %dma_wait3A_113 = tpu.memref_slice %arg2[%dma_wait3A_111, %dma_wait3A_112] : memref<8192x256xf32, #tpu.memory_space<hbm>> -> memref<8192x256xf32, #tpu.memory_space<hbm>>
    tpu.wait_indirect_dma semaphore(%arg10 : memref<!tpu.dma_semaphore, #tpu.memory_space<semaphore_mem>>) src(%dma_wait3A_113 : memref<8192x256xf32, #tpu.memory_space<hbm>>) dst(%arg7 : memref<128x256xf32, #tpu.memory_space<vmem>>)
    %add3A_114 = arith.constant 512 : i32
    %add3A_115 = arith.addi %mul3A_2, %add3A_114 : i32
    %dma_start3A_116 = arith.constant 0 : i32
    %dma_start3A_117 = tpu.memref_slice %arg4[%add3A_115, %dma_start3A_116] : memref<32768x256xf32, #tpu.memory_space<hbm>> -> memref<128x256xf32, #tpu.memory_space<hbm>>
    %dma_start3A_118 = arith.constant 0 : i32
    %dma_start3A_119 = tpu.memref_slice %arg4[%add3A_115, %dma_start3A_118] : memref<32768x256xf32, #tpu.memory_space<hbm>> -> memref<128x256xf32, #tpu.memory_space<hbm>>
    tpu.enqueue_dma source(%arg7 : memref<128x256xf32, #tpu.memory_space<vmem>>) target(%dma_start3A_119 : memref<128x256xf32, #tpu.memory_space<hbm>>) target_semaphore(%arg13 : memref<!tpu.dma_semaphore, #tpu.memory_space<semaphore_mem>>)
    %dma_wait3A_120 = arith.constant 0 : i32
    %dma_wait3A_121 = tpu.memref_slice %arg4[%add3A_91, %dma_wait3A_120] : memref<32768x256xf32, #tpu.memory_space<hbm>> -> memref<128x256xf32, #tpu.memory_space<hbm>>
    %dma_wait3A_122 = arith.constant 0 : i32
    %dma_wait3A_123 = tpu.memref_slice %arg4[%add3A_91, %dma_wait3A_122] : memref<32768x256xf32, #tpu.memory_space<hbm>> -> memref<128x256xf32, #tpu.memory_space<hbm>>
    tpu.wait_dma2 semaphore(%arg12 : memref<!tpu.dma_semaphore, #tpu.memory_space<semaphore_mem>>) src(%arg6 : memref<128x256xf32, #tpu.memory_space<vmem>>) dst(%dma_wait3A_123 : memref<128x256xf32, #tpu.memory_space<hbm>>)
    %dma_start3A_124 = arith.constant 6 : i32
    %dma_start3A_125 = arith.constant 0 : i32
    %dma_start3A_126 = tpu.memref_slice %arg5[%dma_start3A_124, %dma_start3A_125] : memref<8x128xi32, #tpu.memory_space<vmem>> -> memref<1x128xi32, #tpu.memory_space<vmem>>
    %dma_start3A_127 = tpu.memref_squeeze %dma_start3A_126 : memref<1x128xi32, #tpu.memory_space<vmem>> -> memref<128xi32, #tpu.memory_space<vmem>>
    %dma_start3A_128 = arith.constant 0 : i32
    %dma_start3A_129 = arith.constant 0 : i32
    %dma_start3A_130 = tpu.memref_slice %arg2[%dma_start3A_128, %dma_start3A_129] : memref<8192x256xf32, #tpu.memory_space<hbm>> -> memref<8192x256xf32, #tpu.memory_space<hbm>>
    tpu.enqueue_indirect_dma source(%dma_start3A_130 : memref<8192x256xf32, #tpu.memory_space<hbm>>) target(%arg6 : memref<128x256xf32, #tpu.memory_space<vmem>>) offsets(%dma_start3A_127 : memref<128xi32, #tpu.memory_space<vmem>>) semaphore(%arg9 : memref<!tpu.dma_semaphore, #tpu.memory_space<semaphore_mem>>)
    %dma_wait3A_131 = arith.constant 5 : i32
    %dma_wait3A_132 = arith.constant 0 : i32
    %dma_wait3A_133 = tpu.memref_slice %arg5[%dma_wait3A_131, %dma_wait3A_132] : memref<8x128xi32, #tpu.memory_space<vmem>> -> memref<1x128xi32, #tpu.memory_space<vmem>>
    %dma_wait3A_134 = tpu.memref_squeeze %dma_wait3A_133 : memref<1x128xi32, #tpu.memory_space<vmem>> -> memref<128xi32, #tpu.memory_space<vmem>>
    %dma_wait3A_135 = arith.constant 0 : i32
    %dma_wait3A_136 = arith.constant 0 : i32
    %dma_wait3A_137 = tpu.memref_slice %arg2[%dma_wait3A_135, %dma_wait3A_136] : memref<8192x256xf32, #tpu.memory_space<hbm>> -> memref<8192x256xf32, #tpu.memory_space<hbm>>
    tpu.wait_indirect_dma semaphore(%arg11 : memref<!tpu.dma_semaphore, #tpu.memory_space<semaphore_mem>>) src(%dma_wait3A_137 : memref<8192x256xf32, #tpu.memory_space<hbm>>) dst(%arg8 : memref<128x256xf32, #tpu.memory_space<vmem>>)
    %add3A_138 = arith.constant 640 : i32
    %add3A_139 = arith.addi %mul3A_2, %add3A_138 : i32
    %dma_start3A_140 = arith.constant 0 : i32
    %dma_start3A_141 = tpu.memref_slice %arg4[%add3A_139, %dma_start3A_140] : memref<32768x256xf32, #tpu.memory_space<hbm>> -> memref<128x256xf32, #tpu.memory_space<hbm>>
    %dma_start3A_142 = arith.constant 0 : i32
    %dma_start3A_143 = tpu.memref_slice %arg4[%add3A_139, %dma_start3A_142] : memref<32768x256xf32, #tpu.memory_space<hbm>> -> memref<128x256xf32, #tpu.memory_space<hbm>>
    tpu.enqueue_dma source(%arg8 : memref<128x256xf32, #tpu.memory_space<vmem>>) target(%dma_start3A_143 : memref<128x256xf32, #tpu.memory_space<hbm>>) target_semaphore(%arg14 : memref<!tpu.dma_semaphore, #tpu.memory_space<semaphore_mem>>)
    %dma_wait3A_144 = arith.constant 0 : i32
    %dma_wait3A_145 = tpu.memref_slice %arg4[%add3A_115, %dma_wait3A_144] : memref<32768x256xf32, #tpu.memory_space<hbm>> -> memref<128x256xf32, #tpu.memory_space<hbm>>
    %dma_wait3A_146 = arith.constant 0 : i32
    %dma_wait3A_147 = tpu.memref_slice %arg4[%add3A_115, %dma_wait3A_146] : memref<32768x256xf32, #tpu.memory_space<hbm>> -> memref<128x256xf32, #tpu.memory_space<hbm>>
    tpu.wait_dma2 semaphore(%arg13 : memref<!tpu.dma_semaphore, #tpu.memory_space<semaphore_mem>>) src(%arg7 : memref<128x256xf32, #tpu.memory_space<vmem>>) dst(%dma_wait3A_147 : memref<128x256xf32, #tpu.memory_space<hbm>>)
    %dma_start3A_148 = arith.constant 7 : i32
    %dma_start3A_149 = arith.constant 0 : i32
    %dma_start3A_150 = tpu.memref_slice %arg5[%dma_start3A_148, %dma_start3A_149] : memref<8x128xi32, #tpu.memory_space<vmem>> -> memref<1x128xi32, #tpu.memory_space<vmem>>
    %dma_start3A_151 = tpu.memref_squeeze %dma_start3A_150 : memref<1x128xi32, #tpu.memory_space<vmem>> -> memref<128xi32, #tpu.memory_space<vmem>>
    %dma_start3A_152 = arith.constant 0 : i32
    %dma_start3A_153 = arith.constant 0 : i32
    %dma_start3A_154 = tpu.memref_slice %arg2[%dma_start3A_152, %dma_start3A_153] : memref<8192x256xf32, #tpu.memory_space<hbm>> -> memref<8192x256xf32, #tpu.memory_space<hbm>>
    tpu.enqueue_indirect_dma source(%dma_start3A_154 : memref<8192x256xf32, #tpu.memory_space<hbm>>) target(%arg7 : memref<128x256xf32, #tpu.memory_space<vmem>>) offsets(%dma_start3A_151 : memref<128xi32, #tpu.memory_space<vmem>>) semaphore(%arg10 : memref<!tpu.dma_semaphore, #tpu.memory_space<semaphore_mem>>)
    %dma_wait3A_155 = arith.constant 6 : i32
    %dma_wait3A_156 = arith.constant 0 : i32
    %dma_wait3A_157 = tpu.memref_slice %arg5[%dma_wait3A_155, %dma_wait3A_156] : memref<8x128xi32, #tpu.memory_space<vmem>> -> memref<1x128xi32, #tpu.memory_space<vmem>>
    %dma_wait3A_158 = tpu.memref_squeeze %dma_wait3A_157 : memref<1x128xi32, #tpu.memory_space<vmem>> -> memref<128xi32, #tpu.memory_space<vmem>>
    %dma_wait3A_159 = arith.constant 0 : i32
    %dma_wait3A_160 = arith.constant 0 : i32
    %dma_wait3A_161 = tpu.memref_slice %arg2[%dma_wait3A_159, %dma_wait3A_160] : memref<8192x256xf32, #tpu.memory_space<hbm>> -> memref<8192x256xf32, #tpu.memory_space<hbm>>
    tpu.wait_indirect_dma semaphore(%arg9 : memref<!tpu.dma_semaphore, #tpu.memory_space<semaphore_mem>>) src(%dma_wait3A_161 : memref<8192x256xf32, #tpu.memory_space<hbm>>) dst(%arg6 : memref<128x256xf32, #tpu.memory_space<vmem>>)
    %add3A_162 = arith.constant 768 : i32
    %add3A_163 = arith.addi %mul3A_2, %add3A_162 : i32
    %dma_start3A_164 = arith.constant 0 : i32
    %dma_start3A_165 = tpu.memref_slice %arg4[%add3A_163, %dma_start3A_164] : memref<32768x256xf32, #tpu.memory_space<hbm>> -> memref<128x256xf32, #tpu.memory_space<hbm>>
    %dma_start3A_166 = arith.constant 0 : i32
    %dma_start3A_167 = tpu.memref_slice %arg4[%add3A_163, %dma_start3A_166] : memref<32768x256xf32, #tpu.memory_space<hbm>> -> memref<128x256xf32, #tpu.memory_space<hbm>>
    tpu.enqueue_dma source(%arg6 : memref<128x256xf32, #tpu.memory_space<vmem>>) target(%dma_start3A_167 : memref<128x256xf32, #tpu.memory_space<hbm>>) target_semaphore(%arg12 : memref<!tpu.dma_semaphore, #tpu.memory_space<semaphore_mem>>)
    %dma_wait3A_168 = arith.constant 7 : i32
    %dma_wait3A_169 = arith.constant 0 : i32
    %dma_wait3A_170 = tpu.memref_slice %arg5[%dma_wait3A_168, %dma_wait3A_169] : memref<8x128xi32, #tpu.memory_space<vmem>> -> memref<1x128xi32, #tpu.memory_space<vmem>>
    %dma_wait3A_171 = tpu.memref_squeeze %dma_wait3A_170 : memref<1x128xi32, #tpu.memory_space<vmem>> -> memref<128xi32, #tpu.memory_space<vmem>>
    %dma_wait3A_172 = arith.constant 0 : i32
    %dma_wait3A_173 = arith.constant 0 : i32
    %dma_wait3A_174 = tpu.memref_slice %arg2[%dma_wait3A_172, %dma_wait3A_173] : memref<8192x256xf32, #tpu.memory_space<hbm>> -> memref<8192x256xf32, #tpu.memory_space<hbm>>
    tpu.wait_indirect_dma semaphore(%arg10 : memref<!tpu.dma_semaphore, #tpu.memory_space<semaphore_mem>>) src(%dma_wait3A_174 : memref<8192x256xf32, #tpu.memory_space<hbm>>) dst(%arg7 : memref<128x256xf32, #tpu.memory_space<vmem>>)
    %add3A_175 = arith.constant 896 : i32
    %add3A_176 = arith.addi %mul3A_2, %add3A_175 : i32
    %dma_start3A_177 = arith.constant 0 : i32
    %dma_start3A_178 = tpu.memref_slice %arg4[%add3A_176, %dma_start3A_177] : memref<32768x256xf32, #tpu.memory_space<hbm>> -> memref<128x256xf32, #tpu.memory_space<hbm>>
    %dma_start3A_179 = arith.constant 0 : i32
    %dma_start3A_180 = tpu.memref_slice %arg4[%add3A_176, %dma_start3A_179] : memref<32768x256xf32, #tpu.memory_space<hbm>> -> memref<128x256xf32, #tpu.memory_space<hbm>>
    tpu.enqueue_dma source(%arg7 : memref<128x256xf32, #tpu.memory_space<vmem>>) target(%dma_start3A_180 : memref<128x256xf32, #tpu.memory_space<hbm>>) target_semaphore(%arg13 : memref<!tpu.dma_semaphore, #tpu.memory_space<semaphore_mem>>)
    %dma_wait3A_181 = arith.constant 0 : i32
    %dma_wait3A_182 = tpu.memref_slice %arg4[%add3A_139, %dma_wait3A_181] : memref<32768x256xf32, #tpu.memory_space<hbm>> -> memref<128x256xf32, #tpu.memory_space<hbm>>
    %dma_wait3A_183 = arith.constant 0 : i32
    %dma_wait3A_184 = tpu.memref_slice %arg4[%add3A_139, %dma_wait3A_183] : memref<32768x256xf32, #tpu.memory_space<hbm>> -> memref<128x256xf32, #tpu.memory_space<hbm>>
    tpu.wait_dma2 semaphore(%arg14 : memref<!tpu.dma_semaphore, #tpu.memory_space<semaphore_mem>>) src(%arg8 : memref<128x256xf32, #tpu.memory_space<vmem>>) dst(%dma_wait3A_184 : memref<128x256xf32, #tpu.memory_space<hbm>>)
    %dma_wait3A_185 = arith.constant 0 : i32
    %dma_wait3A_186 = tpu.memref_slice %arg4[%add3A_163, %dma_wait3A_185] : memref<32768x256xf32, #tpu.memory_space<hbm>> -> memref<128x256xf32, #tpu.memory_space<hbm>>
    %dma_wait3A_187 = arith.constant 0 : i32
    %dma_wait3A_188 = tpu.memref_slice %arg4[%add3A_163, %dma_wait3A_187] : memref<32768x256xf32, #tpu.memory_space<hbm>> -> memref<128x256xf32, #tpu.memory_space<hbm>>
    tpu.wait_dma2 semaphore(%arg12 : memref<!tpu.dma_semaphore, #tpu.memory_space<semaphore_mem>>) src(%arg6 : memref<128x256xf32, #tpu.memory_space<vmem>>) dst(%dma_wait3A_188 : memref<128x256xf32, #tpu.memory_space<hbm>>)
    %dma_wait3A_189 = arith.constant 0 : i32
    %dma_wait3A_190 = tpu.memref_slice %arg4[%add3A_176, %dma_wait3A_189] : memref<32768x256xf32, #tpu.memory_space<hbm>> -> memref<128x256xf32, #tpu.memory_space<hbm>>
    %dma_wait3A_191 = arith.constant 0 : i32
    %dma_wait3A_192 = tpu.memref_slice %arg4[%add3A_176, %dma_wait3A_191] : memref<32768x256xf32, #tpu.memory_space<hbm>> -> memref<128x256xf32, #tpu.memory_space<hbm>>
    tpu.wait_dma2 semaphore(%arg13 : memref<!tpu.dma_semaphore, #tpu.memory_space<semaphore_mem>>) src(%arg7 : memref<128x256xf32, #tpu.memory_space<vmem>>) dst(%dma_wait3A_192 : memref<128x256xf32, #tpu.memory_space<hbm>>)
    return
  }
}

module attributes {stable_mosaic.version = 14 : i64} {
  func.func @_prep_body(%arg0: memref<8192x256xf32, #tpu.memory_space<vmem>>, %arg1: memref<256x8192xbf16, #tpu.memory_space<vmem>>, %arg2: memref<1x8192xf32, #tpu.memory_space<vmem>>) attributes {dimension_semantics = [], scalar_prefetch = 0 : i64, scratch_operands = 0 : i64, tpu.core_type = #tpu.core_type<tc>} {
    %get3A = arith.constant 0 : index
    %get3A_0 = arith.constant 0 : index
    %get3A_1 = vector.load %arg0[%get3A, %get3A_0] : memref<8192x256xf32, #tpu.memory_space<vmem>>, vector<8192x256xf32>
    %transpose3A = tpu.transpose %get3A_1, [1, 0] : vector<8192x256xf32> -> vector<256x8192xf32>
    %convert_element_type3A = arith.truncf %transpose3A : vector<256x8192xf32> to vector<256x8192xbf16>
    %swap3A = arith.constant 0 : index
    %swap3A_2 = arith.constant 0 : index
    %swap3A_3 = vector.load %arg1[%swap3A, %swap3A_2] : memref<256x8192xbf16, #tpu.memory_space<vmem>>, vector<256x8192xbf16>
    tpu.vector_store %arg1[%swap3A, %swap3A_2], %convert_element_type3A {strides = array<i32>} : memref<256x8192xbf16, #tpu.memory_space<vmem>>, vector<256x8192xbf16>,
    %mul3A = arith.mulf %transpose3A, %transpose3A : vector<256x8192xf32>
    %reduce_sum3A = arith.constant dense<0.000000e+00> : vector<8192xf32>
    %reduce_sum3A_4 = vector.multi_reduction <add>, %mul3A, %reduce_sum3A [0] : vector<256x8192xf32> to vector<8192xf32>
    %broadcast_in_dim3A = vector.shape_cast %reduce_sum3A_4 : vector<8192xf32> to vector<1x8192xf32>
    %swap3A_5 = arith.constant 0 : index
    %swap3A_6 = arith.constant 0 : index
    %swap3A_7 = vector.load %arg2[%swap3A_5, %swap3A_6] : memref<1x8192xf32, #tpu.memory_space<vmem>>, vector<1x8192xf32>
    tpu.vector_store %arg2[%swap3A_5, %swap3A_6], %broadcast_in_dim3A {strides = array<i32>} : memref<1x8192xf32, #tpu.memory_space<vmem>>, vector<1x8192xf32>,
    return
  }
}

module attributes {stable_mosaic.version = 14 : i64} {
  func.func @_argmin_body(%arg0: i32, %arg1: memref<1024x256xf32, #tpu.memory_space<vmem>>, %arg2: memref<256x8192xbf16, #tpu.memory_space<vmem>>, %arg3: memref<1x8192xf32, #tpu.memory_space<vmem>>, %arg4: memref<1x1x1024xi32, #tpu.memory_space<vmem>>, %arg5: memref<1x1x1xf32, #tpu.memory_space<smem>>) attributes {dimension_semantics = [#tpu.dimension_semantics<parallel>], iteration_bounds = array<i64: 32>, scalar_prefetch = 0 : i64, scratch_operands = 0 : i64, tpu.core_type = #tpu.core_type<tc>, window_params = [{transform_indices = @transform_0, window_bounds = array<i64: 1024, 256>}, {pipeline_mode = #tpu.pipeline_mode<synchronous>, transform_indices = @transform_1, window_bounds = array<i64: 256, 8192>}, {pipeline_mode = #tpu.pipeline_mode<synchronous>, transform_indices = @transform_2, window_bounds = array<i64: 1, 8192>}, {transform_indices = @transform_3, window_bounds = array<i64: 1, 1, 1024>}, {transform_indices = @transform_4, window_bounds = array<i64: 1, 1, 1>}]} {
    %get3A = arith.constant 0 : index
    %get3A_0 = arith.constant 0 : index
    %get3A_1 = vector.load %arg1[%get3A, %get3A_0] : memref<1024x256xf32, #tpu.memory_space<vmem>>, vector<1024x256xf32>
    %mul3A = arith.mulf %get3A_1, %get3A_1 : vector<1024x256xf32>
    %reduce_sum3A = arith.constant dense<0.000000e+00> : vector<1024xf32>
    %reduce_sum3A_2 = vector.multi_reduction <add>, %mul3A, %reduce_sum3A [1] : vector<1024x256xf32> to vector<1024xf32>
    %broadcast_in_dim3A = vector.shape_cast %reduce_sum3A_2 : vector<1024xf32> to vector<1024x1xf32>
    %mul3A_3 = arith.constant -2.000000e+00 : f32
    %mul3A_4 = vector.broadcast %mul3A_3 : f32 to vector<1024x256xf32>
    %mul3A_5 = arith.mulf %get3A_1, %mul3A_4 : vector<1024x256xf32>
    %convert_element_type3A = arith.truncf %mul3A_5 : vector<1024x256xf32> to vector<1024x256xbf16>
    %get3A_6 = arith.constant 0 : index
    %get3A_7 = arith.constant 0 : index
    %get3A_8 = vector.load %arg3[%get3A_6, %get3A_7] : memref<1x8192xf32, #tpu.memory_space<vmem>>, vector<1x8192xf32>
    %get3A_9 = arith.constant 0 : index
    %get3A_10 = arith.constant 0 : index
    %get3A_11 = vector.load %arg2[%get3A_9, %get3A_10] : memref<256x8192xbf16, #tpu.memory_space<vmem>>, vector<256x8192xbf16>
    %dot_general3A = arith.constant dense<0.000000e+00> : vector<1024x8192xf32>
    %dot_general3A_12 = tpu.matmul %convert_element_type3A, %get3A_11, %dot_general3A {dimension_numbers = #tpu.dot_dimension_numbers<[1], [0], [0], [1], [0, 0, 1, 1], [], []>, transpose_lhs_hint = false} : vector<1024x256xbf16>, vector<256x8192xbf16>, vector<1024x8192xf32> -> vector<1024x8192xf32>
    %broadcast_in_dim3A_13 = arith.constant 0x7F800000 : f32
    %broadcast_in_dim3A_14 = vector.broadcast %broadcast_in_dim3A_13 : f32 to vector<1024x128xf32>
    %broadcast_in_dim3A_15 = arith.constant 0 : i32
    %broadcast_in_dim3A_16 = vector.broadcast %broadcast_in_dim3A_15 : i32 to vector<1024x128xi32>
    %slice3A = vector.extract_strided_slice %dot_general3A_12 {offsets = [0, 0], sizes = [1024, 128], strides = [1, 1]} : vector<1024x8192xf32> to vector<1024x128xf32>
    %add3A = vector.broadcast %broadcast_in_dim3A : vector<1024x1xf32> to vector<1024x128xf32>
    %add3A_17 = arith.addf %add3A, %slice3A : vector<1024x128xf32>
    %slice3A_18 = vector.extract_strided_slice %get3A_8 {offsets = [0, 0], sizes = [1, 128], strides = [1, 1]} : vector<1x8192xf32> to vector<1x128xf32>
    %add3A_19 = vector.broadcast %slice3A_18 : vector<1x128xf32> to vector<1024x128xf32>
    %add3A_20 = arith.addf %add3A_17, %add3A_19 : vector<1024x128xf32>
    %lt3A = arith.cmpf olt, %add3A_20, %broadcast_in_dim3A_14 : vector<1024x128xf32>
    %select_n3A = arith.select %lt3A, %add3A_20, %broadcast_in_dim3A_14 : vector<1024x128xi1>, vector<1024x128xf32>
    %jit3A = arith.constant 0 : i32
    %broadcast_in_dim3A_21 = vector.broadcast %jit3A : i32 to vector<1024x128xi32>
    %select_n3A_22 = arith.select %lt3A, %broadcast_in_dim3A_21, %broadcast_in_dim3A_16 : vector<1024x128xi1>, vector<1024x128xi32>
    %slice3A_23 = vector.extract_strided_slice %dot_general3A_12 {offsets = [0, 128], sizes = [1024, 128], strides = [1, 1]} : vector<1024x8192xf32> to vector<1024x128xf32>
    %add3A_24 = vector.broadcast %broadcast_in_dim3A : vector<1024x1xf32> to vector<1024x128xf32>
    %add3A_25 = arith.addf %add3A_24, %slice3A_23 : vector<1024x128xf32>
    %slice3A_26 = vector.extract_strided_slice %get3A_8 {offsets = [0, 128], sizes = [1, 128], strides = [1, 1]} : vector<1x8192xf32> to vector<1x128xf32>
    %add3A_27 = vector.broadcast %slice3A_26 : vector<1x128xf32> to vector<1024x128xf32>
    %add3A_28 = arith.addf %add3A_25, %add3A_27 : vector<1024x128xf32>
    %lt3A_29 = arith.cmpf olt, %add3A_28, %select_n3A : vector<1024x128xf32>
    %select_n3A_30 = arith.select %lt3A_29, %add3A_28, %select_n3A : vector<1024x128xi1>, vector<1024x128xf32>
    %jit3A_31 = arith.constant 1 : i32
    %broadcast_in_dim3A_32 = vector.broadcast %jit3A_31 : i32 to vector<1024x128xi32>
    %select_n3A_33 = arith.select %lt3A_29, %broadcast_in_dim3A_32, %select_n3A_22 : vector<1024x128xi1>, vector<1024x128xi32>
    %slice3A_34 = vector.extract_strided_slice %dot_general3A_12 {offsets = [0, 256], sizes = [1024, 128], strides = [1, 1]} : vector<1024x8192xf32> to vector<1024x128xf32>
    %add3A_35 = vector.broadcast %broadcast_in_dim3A : vector<1024x1xf32> to vector<1024x128xf32>
    %add3A_36 = arith.addf %add3A_35, %slice3A_34 : vector<1024x128xf32>
    %slice3A_37 = vector.extract_strided_slice %get3A_8 {offsets = [0, 256], sizes = [1, 128], strides = [1, 1]} : vector<1x8192xf32> to vector<1x128xf32>
    %add3A_38 = vector.broadcast %slice3A_37 : vector<1x128xf32> to vector<1024x128xf32>
    %add3A_39 = arith.addf %add3A_36, %add3A_38 : vector<1024x128xf32>
    %lt3A_40 = arith.cmpf olt, %add3A_39, %select_n3A_30 : vector<1024x128xf32>
    %select_n3A_41 = arith.select %lt3A_40, %add3A_39, %select_n3A_30 : vector<1024x128xi1>, vector<1024x128xf32>
    %jit3A_42 = arith.constant 2 : i32
    %broadcast_in_dim3A_43 = vector.broadcast %jit3A_42 : i32 to vector<1024x128xi32>
    %select_n3A_44 = arith.select %lt3A_40, %broadcast_in_dim3A_43, %select_n3A_33 : vector<1024x128xi1>, vector<1024x128xi32>
    %slice3A_45 = vector.extract_strided_slice %dot_general3A_12 {offsets = [0, 384], sizes = [1024, 128], strides = [1, 1]} : vector<1024x8192xf32> to vector<1024x128xf32>
    %add3A_46 = vector.broadcast %broadcast_in_dim3A : vector<1024x1xf32> to vector<1024x128xf32>
    %add3A_47 = arith.addf %add3A_46, %slice3A_45 : vector<1024x128xf32>
    %slice3A_48 = vector.extract_strided_slice %get3A_8 {offsets = [0, 384], sizes = [1, 128], strides = [1, 1]} : vector<1x8192xf32> to vector<1x128xf32>
    %add3A_49 = vector.broadcast %slice3A_48 : vector<1x128xf32> to vector<1024x128xf32>
    %add3A_50 = arith.addf %add3A_47, %add3A_49 : vector<1024x128xf32>
    %lt3A_51 = arith.cmpf olt, %add3A_50, %select_n3A_41 : vector<1024x128xf32>
    %select_n3A_52 = arith.select %lt3A_51, %add3A_50, %select_n3A_41 : vector<1024x128xi1>, vector<1024x128xf32>
    %jit3A_53 = arith.constant 3 : i32
    %broadcast_in_dim3A_54 = vector.broadcast %jit3A_53 : i32 to vector<1024x128xi32>
    %select_n3A_55 = arith.select %lt3A_51, %broadcast_in_dim3A_54, %select_n3A_44 : vector<1024x128xi1>, vector<1024x128xi32>
    %slice3A_56 = vector.extract_strided_slice %dot_general3A_12 {offsets = [0, 512], sizes = [1024, 128], strides = [1, 1]} : vector<1024x8192xf32> to vector<1024x128xf32>
    %add3A_57 = vector.broadcast %broadcast_in_dim3A : vector<1024x1xf32> to vector<1024x128xf32>
    %add3A_58 = arith.addf %add3A_57, %slice3A_56 : vector<1024x128xf32>
    %slice3A_59 = vector.extract_strided_slice %get3A_8 {offsets = [0, 512], sizes = [1, 128], strides = [1, 1]} : vector<1x8192xf32> to vector<1x128xf32>
    %add3A_60 = vector.broadcast %slice3A_59 : vector<1x128xf32> to vector<1024x128xf32>
    %add3A_61 = arith.addf %add3A_58, %add3A_60 : vector<1024x128xf32>
    %lt3A_62 = arith.cmpf olt, %add3A_61, %select_n3A_52 : vector<1024x128xf32>
    %select_n3A_63 = arith.select %lt3A_62, %add3A_61, %select_n3A_52 : vector<1024x128xi1>, vector<1024x128xf32>
    %jit3A_64 = arith.constant 4 : i32
    %broadcast_in_dim3A_65 = vector.broadcast %jit3A_64 : i32 to vector<1024x128xi32>
    %select_n3A_66 = arith.select %lt3A_62, %broadcast_in_dim3A_65, %select_n3A_55 : vector<1024x128xi1>, vector<1024x128xi32>
    %slice3A_67 = vector.extract_strided_slice %dot_general3A_12 {offsets = [0, 640], sizes = [1024, 128], strides = [1, 1]} : vector<1024x8192xf32> to vector<1024x128xf32>
    %add3A_68 = vector.broadcast %broadcast_in_dim3A : vector<1024x1xf32> to vector<1024x128xf32>
    %add3A_69 = arith.addf %add3A_68, %slice3A_67 : vector<1024x128xf32>
    %slice3A_70 = vector.extract_strided_slice %get3A_8 {offsets = [0, 640], sizes = [1, 128], strides = [1, 1]} : vector<1x8192xf32> to vector<1x128xf32>
    %add3A_71 = vector.broadcast %slice3A_70 : vector<1x128xf32> to vector<1024x128xf32>
    %add3A_72 = arith.addf %add3A_69, %add3A_71 : vector<1024x128xf32>
    %lt3A_73 = arith.cmpf olt, %add3A_72, %select_n3A_63 : vector<1024x128xf32>
    %select_n3A_74 = arith.select %lt3A_73, %add3A_72, %select_n3A_63 : vector<1024x128xi1>, vector<1024x128xf32>
    %jit3A_75 = arith.constant 5 : i32
    %broadcast_in_dim3A_76 = vector.broadcast %jit3A_75 : i32 to vector<1024x128xi32>
    %select_n3A_77 = arith.select %lt3A_73, %broadcast_in_dim3A_76, %select_n3A_66 : vector<1024x128xi1>, vector<1024x128xi32>
    %slice3A_78 = vector.extract_strided_slice %dot_general3A_12 {offsets = [0, 768], sizes = [1024, 128], strides = [1, 1]} : vector<1024x8192xf32> to vector<1024x128xf32>
    %add3A_79 = vector.broadcast %broadcast_in_dim3A : vector<1024x1xf32> to vector<1024x128xf32>
    %add3A_80 = arith.addf %add3A_79, %slice3A_78 : vector<1024x128xf32>
    %slice3A_81 = vector.extract_strided_slice %get3A_8 {offsets = [0, 768], sizes = [1, 128], strides = [1, 1]} : vector<1x8192xf32> to vector<1x128xf32>
    %add3A_82 = vector.broadcast %slice3A_81 : vector<1x128xf32> to vector<1024x128xf32>
    %add3A_83 = arith.addf %add3A_80, %add3A_82 : vector<1024x128xf32>
    %lt3A_84 = arith.cmpf olt, %add3A_83, %select_n3A_74 : vector<1024x128xf32>
    %select_n3A_85 = arith.select %lt3A_84, %add3A_83, %select_n3A_74 : vector<1024x128xi1>, vector<1024x128xf32>
    %jit3A_86 = arith.constant 6 : i32
    %broadcast_in_dim3A_87 = vector.broadcast %jit3A_86 : i32 to vector<1024x128xi32>
    %select_n3A_88 = arith.select %lt3A_84, %broadcast_in_dim3A_87, %select_n3A_77 : vector<1024x128xi1>, vector<1024x128xi32>
    %slice3A_89 = vector.extract_strided_slice %dot_general3A_12 {offsets = [0, 896], sizes = [1024, 128], strides = [1, 1]} : vector<1024x8192xf32> to vector<1024x128xf32>
    %add3A_90 = vector.broadcast %broadcast_in_dim3A : vector<1024x1xf32> to vector<1024x128xf32>
    %add3A_91 = arith.addf %add3A_90, %slice3A_89 : vector<1024x128xf32>
    %slice3A_92 = vector.extract_strided_slice %get3A_8 {offsets = [0, 896], sizes = [1, 128], strides = [1, 1]} : vector<1x8192xf32> to vector<1x128xf32>
    %add3A_93 = vector.broadcast %slice3A_92 : vector<1x128xf32> to vector<1024x128xf32>
    %add3A_94 = arith.addf %add3A_91, %add3A_93 : vector<1024x128xf32>
    %lt3A_95 = arith.cmpf olt, %add3A_94, %select_n3A_85 : vector<1024x128xf32>
    %select_n3A_96 = arith.select %lt3A_95, %add3A_94, %select_n3A_85 : vector<1024x128xi1>, vector<1024x128xf32>
    %jit3A_97 = arith.constant 7 : i32
    %broadcast_in_dim3A_98 = vector.broadcast %jit3A_97 : i32 to vector<1024x128xi32>
    %select_n3A_99 = arith.select %lt3A_95, %broadcast_in_dim3A_98, %select_n3A_88 : vector<1024x128xi1>, vector<1024x128xi32>
    %slice3A_100 = vector.extract_strided_slice %dot_general3A_12 {offsets = [0, 1024], sizes = [1024, 128], strides = [1, 1]} : vector<1024x8192xf32> to vector<1024x128xf32>
    %add3A_101 = vector.broadcast %broadcast_in_dim3A : vector<1024x1xf32> to vector<1024x128xf32>
    %add3A_102 = arith.addf %add3A_101, %slice3A_100 : vector<1024x128xf32>
    %slice3A_103 = vector.extract_strided_slice %get3A_8 {offsets = [0, 1024], sizes = [1, 128], strides = [1, 1]} : vector<1x8192xf32> to vector<1x128xf32>
    %add3A_104 = vector.broadcast %slice3A_103 : vector<1x128xf32> to vector<1024x128xf32>
    %add3A_105 = arith.addf %add3A_102, %add3A_104 : vector<1024x128xf32>
    %lt3A_106 = arith.cmpf olt, %add3A_105, %select_n3A_96 : vector<1024x128xf32>
    %select_n3A_107 = arith.select %lt3A_106, %add3A_105, %select_n3A_96 : vector<1024x128xi1>, vector<1024x128xf32>
    %jit3A_108 = arith.constant 8 : i32
    %broadcast_in_dim3A_109 = vector.broadcast %jit3A_108 : i32 to vector<1024x128xi32>
    %select_n3A_110 = arith.select %lt3A_106, %broadcast_in_dim3A_109, %select_n3A_99 : vector<1024x128xi1>, vector<1024x128xi32>
    %slice3A_111 = vector.extract_strided_slice %dot_general3A_12 {offsets = [0, 1152], sizes = [1024, 128], strides = [1, 1]} : vector<1024x8192xf32> to vector<1024x128xf32>
    %add3A_112 = vector.broadcast %broadcast_in_dim3A : vector<1024x1xf32> to vector<1024x128xf32>
    %add3A_113 = arith.addf %add3A_112, %slice3A_111 : vector<1024x128xf32>
    %slice3A_114 = vector.extract_strided_slice %get3A_8 {offsets = [0, 1152], sizes = [1, 128], strides = [1, 1]} : vector<1x8192xf32> to vector<1x128xf32>
    %add3A_115 = vector.broadcast %slice3A_114 : vector<1x128xf32> to vector<1024x128xf32>
    %add3A_116 = arith.addf %add3A_113, %add3A_115 : vector<1024x128xf32>
    %lt3A_117 = arith.cmpf olt, %add3A_116, %select_n3A_107 : vector<1024x128xf32>
    %select_n3A_118 = arith.select %lt3A_117, %add3A_116, %select_n3A_107 : vector<1024x128xi1>, vector<1024x128xf32>
    %jit3A_119 = arith.constant 9 : i32
    %broadcast_in_dim3A_120 = vector.broadcast %jit3A_119 : i32 to vector<1024x128xi32>
    %select_n3A_121 = arith.select %lt3A_117, %broadcast_in_dim3A_120, %select_n3A_110 : vector<1024x128xi1>, vector<1024x128xi32>
    %slice3A_122 = vector.extract_strided_slice %dot_general3A_12 {offsets = [0, 1280], sizes = [1024, 128], strides = [1, 1]} : vector<1024x8192xf32> to vector<1024x128xf32>
    %add3A_123 = vector.broadcast %broadcast_in_dim3A : vector<1024x1xf32> to vector<1024x128xf32>
    %add3A_124 = arith.addf %add3A_123, %slice3A_122 : vector<1024x128xf32>
    %slice3A_125 = vector.extract_strided_slice %get3A_8 {offsets = [0, 1280], sizes = [1, 128], strides = [1, 1]} : vector<1x8192xf32> to vector<1x128xf32>
    %add3A_126 = vector.broadcast %slice3A_125 : vector<1x128xf32> to vector<1024x128xf32>
    %add3A_127 = arith.addf %add3A_124, %add3A_126 : vector<1024x128xf32>
    %lt3A_128 = arith.cmpf olt, %add3A_127, %select_n3A_118 : vector<1024x128xf32>
    %select_n3A_129 = arith.select %lt3A_128, %add3A_127, %select_n3A_118 : vector<1024x128xi1>, vector<1024x128xf32>
    %jit3A_130 = arith.constant 10 : i32
    %broadcast_in_dim3A_131 = vector.broadcast %jit3A_130 : i32 to vector<1024x128xi32>
    %select_n3A_132 = arith.select %lt3A_128, %broadcast_in_dim3A_131, %select_n3A_121 : vector<1024x128xi1>, vector<1024x128xi32>
    %slice3A_133 = vector.extract_strided_slice %dot_general3A_12 {offsets = [0, 1408], sizes = [1024, 128], strides = [1, 1]} : vector<1024x8192xf32> to vector<1024x128xf32>
    %add3A_134 = vector.broadcast %broadcast_in_dim3A : vector<1024x1xf32> to vector<1024x128xf32>
    %add3A_135 = arith.addf %add3A_134, %slice3A_133 : vector<1024x128xf32>
    %slice3A_136 = vector.extract_strided_slice %get3A_8 {offsets = [0, 1408], sizes = [1, 128], strides = [1, 1]} : vector<1x8192xf32> to vector<1x128xf32>
    %add3A_137 = vector.broadcast %slice3A_136 : vector<1x128xf32> to vector<1024x128xf32>
    %add3A_138 = arith.addf %add3A_135, %add3A_137 : vector<1024x128xf32>
    %lt3A_139 = arith.cmpf olt, %add3A_138, %select_n3A_129 : vector<1024x128xf32>
    %select_n3A_140 = arith.select %lt3A_139, %add3A_138, %select_n3A_129 : vector<1024x128xi1>, vector<1024x128xf32>
    %jit3A_141 = arith.constant 11 : i32
    %broadcast_in_dim3A_142 = vector.broadcast %jit3A_141 : i32 to vector<1024x128xi32>
    %select_n3A_143 = arith.select %lt3A_139, %broadcast_in_dim3A_142, %select_n3A_132 : vector<1024x128xi1>, vector<1024x128xi32>
    %slice3A_144 = vector.extract_strided_slice %dot_general3A_12 {offsets = [0, 1536], sizes = [1024, 128], strides = [1, 1]} : vector<1024x8192xf32> to vector<1024x128xf32>
    %add3A_145 = vector.broadcast %broadcast_in_dim3A : vector<1024x1xf32> to vector<1024x128xf32>
    %add3A_146 = arith.addf %add3A_145, %slice3A_144 : vector<1024x128xf32>
    %slice3A_147 = vector.extract_strided_slice %get3A_8 {offsets = [0, 1536], sizes = [1, 128], strides = [1, 1]} : vector<1x8192xf32> to vector<1x128xf32>
    %add3A_148 = vector.broadcast %slice3A_147 : vector<1x128xf32> to vector<1024x128xf32>
    %add3A_149 = arith.addf %add3A_146, %add3A_148 : vector<1024x128xf32>
    %lt3A_150 = arith.cmpf olt, %add3A_149, %select_n3A_140 : vector<1024x128xf32>
    %select_n3A_151 = arith.select %lt3A_150, %add3A_149, %select_n3A_140 : vector<1024x128xi1>, vector<1024x128xf32>
    %jit3A_152 = arith.constant 12 : i32
    %broadcast_in_dim3A_153 = vector.broadcast %jit3A_152 : i32 to vector<1024x128xi32>
    %select_n3A_154 = arith.select %lt3A_150, %broadcast_in_dim3A_153, %select_n3A_143 : vector<1024x128xi1>, vector<1024x128xi32>
    %slice3A_155 = vector.extract_strided_slice %dot_general3A_12 {offsets = [0, 1664], sizes = [1024, 128], strides = [1, 1]} : vector<1024x8192xf32> to vector<1024x128xf32>
    %add3A_156 = vector.broadcast %broadcast_in_dim3A : vector<1024x1xf32> to vector<1024x128xf32>
    %add3A_157 = arith.addf %add3A_156, %slice3A_155 : vector<1024x128xf32>
    %slice3A_158 = vector.extract_strided_slice %get3A_8 {offsets = [0, 1664], sizes = [1, 128], strides = [1, 1]} : vector<1x8192xf32> to vector<1x128xf32>
    %add3A_159 = vector.broadcast %slice3A_158 : vector<1x128xf32> to vector<1024x128xf32>
    %add3A_160 = arith.addf %add3A_157, %add3A_159 : vector<1024x128xf32>
    %lt3A_161 = arith.cmpf olt, %add3A_160, %select_n3A_151 : vector<1024x128xf32>
    %select_n3A_162 = arith.select %lt3A_161, %add3A_160, %select_n3A_151 : vector<1024x128xi1>, vector<1024x128xf32>
    %jit3A_163 = arith.constant 13 : i32
    %broadcast_in_dim3A_164 = vector.broadcast %jit3A_163 : i32 to vector<1024x128xi32>
    %select_n3A_165 = arith.select %lt3A_161, %broadcast_in_dim3A_164, %select_n3A_154 : vector<1024x128xi1>, vector<1024x128xi32>
    %slice3A_166 = vector.extract_strided_slice %dot_general3A_12 {offsets = [0, 1792], sizes = [1024, 128], strides = [1, 1]} : vector<1024x8192xf32> to vector<1024x128xf32>
    %add3A_167 = vector.broadcast %broadcast_in_dim3A : vector<1024x1xf32> to vector<1024x128xf32>
    %add3A_168 = arith.addf %add3A_167, %slice3A_166 : vector<1024x128xf32>
    %slice3A_169 = vector.extract_strided_slice %get3A_8 {offsets = [0, 1792], sizes = [1, 128], strides = [1, 1]} : vector<1x8192xf32> to vector<1x128xf32>
    %add3A_170 = vector.broadcast %slice3A_169 : vector<1x128xf32> to vector<1024x128xf32>
    %add3A_171 = arith.addf %add3A_168, %add3A_170 : vector<1024x128xf32>
    %lt3A_172 = arith.cmpf olt, %add3A_171, %select_n3A_162 : vector<1024x128xf32>
    %select_n3A_173 = arith.select %lt3A_172, %add3A_171, %select_n3A_162 : vector<1024x128xi1>, vector<1024x128xf32>
    %jit3A_174 = arith.constant 14 : i32
    %broadcast_in_dim3A_175 = vector.broadcast %jit3A_174 : i32 to vector<1024x128xi32>
    %select_n3A_176 = arith.select %lt3A_172, %broadcast_in_dim3A_175, %select_n3A_165 : vector<1024x128xi1>, vector<1024x128xi32>
    %slice3A_177 = vector.extract_strided_slice %dot_general3A_12 {offsets = [0, 1920], sizes = [1024, 128], strides = [1, 1]} : vector<1024x8192xf32> to vector<1024x128xf32>
    %add3A_178 = vector.broadcast %broadcast_in_dim3A : vector<1024x1xf32> to vector<1024x128xf32>
    %add3A_179 = arith.addf %add3A_178, %slice3A_177 : vector<1024x128xf32>
    %slice3A_180 = vector.extract_strided_slice %get3A_8 {offsets = [0, 1920], sizes = [1, 128], strides = [1, 1]} : vector<1x8192xf32> to vector<1x128xf32>
    %add3A_181 = vector.broadcast %slice3A_180 : vector<1x128xf32> to vector<1024x128xf32>
    %add3A_182 = arith.addf %add3A_179, %add3A_181 : vector<1024x128xf32>
    %lt3A_183 = arith.cmpf olt, %add3A_182, %select_n3A_173 : vector<1024x128xf32>
    %select_n3A_184 = arith.select %lt3A_183, %add3A_182, %select_n3A_173 : vector<1024x128xi1>, vector<1024x128xf32>
    %jit3A_185 = arith.constant 15 : i32
    %broadcast_in_dim3A_186 = vector.broadcast %jit3A_185 : i32 to vector<1024x128xi32>
    %select_n3A_187 = arith.select %lt3A_183, %broadcast_in_dim3A_186, %select_n3A_176 : vector<1024x128xi1>, vector<1024x128xi32>
    %slice3A_188 = vector.extract_strided_slice %dot_general3A_12 {offsets = [0, 2048], sizes = [1024, 128], strides = [1, 1]} : vector<1024x8192xf32> to vector<1024x128xf32>
    %add3A_189 = vector.broadcast %broadcast_in_dim3A : vector<1024x1xf32> to vector<1024x128xf32>
    %add3A_190 = arith.addf %add3A_189, %slice3A_188 : vector<1024x128xf32>
    %slice3A_191 = vector.extract_strided_slice %get3A_8 {offsets = [0, 2048], sizes = [1, 128], strides = [1, 1]} : vector<1x8192xf32> to vector<1x128xf32>
    %add3A_192 = vector.broadcast %slice3A_191 : vector<1x128xf32> to vector<1024x128xf32>
    %add3A_193 = arith.addf %add3A_190, %add3A_192 : vector<1024x128xf32>
    %lt3A_194 = arith.cmpf olt, %add3A_193, %select_n3A_184 : vector<1024x128xf32>
    %select_n3A_195 = arith.select %lt3A_194, %add3A_193, %select_n3A_184 : vector<1024x128xi1>, vector<1024x128xf32>
    %jit3A_196 = arith.constant 16 : i32
    %broadcast_in_dim3A_197 = vector.broadcast %jit3A_196 : i32 to vector<1024x128xi32>
    %select_n3A_198 = arith.select %lt3A_194, %broadcast_in_dim3A_197, %select_n3A_187 : vector<1024x128xi1>, vector<1024x128xi32>
    %slice3A_199 = vector.extract_strided_slice %dot_general3A_12 {offsets = [0, 2176], sizes = [1024, 128], strides = [1, 1]} : vector<1024x8192xf32> to vector<1024x128xf32>
    %add3A_200 = vector.broadcast %broadcast_in_dim3A : vector<1024x1xf32> to vector<1024x128xf32>
    %add3A_201 = arith.addf %add3A_200, %slice3A_199 : vector<1024x128xf32>
    %slice3A_202 = vector.extract_strided_slice %get3A_8 {offsets = [0, 2176], sizes = [1, 128], strides = [1, 1]} : vector<1x8192xf32> to vector<1x128xf32>
    %add3A_203 = vector.broadcast %slice3A_202 : vector<1x128xf32> to vector<1024x128xf32>
    %add3A_204 = arith.addf %add3A_201, %add3A_203 : vector<1024x128xf32>
    %lt3A_205 = arith.cmpf olt, %add3A_204, %select_n3A_195 : vector<1024x128xf32>
    %select_n3A_206 = arith.select %lt3A_205, %add3A_204, %select_n3A_195 : vector<1024x128xi1>, vector<1024x128xf32>
    %jit3A_207 = arith.constant 17 : i32
    %broadcast_in_dim3A_208 = vector.broadcast %jit3A_207 : i32 to vector<1024x128xi32>
    %select_n3A_209 = arith.select %lt3A_205, %broadcast_in_dim3A_208, %select_n3A_198 : vector<1024x128xi1>, vector<1024x128xi32>
    %slice3A_210 = vector.extract_strided_slice %dot_general3A_12 {offsets = [0, 2304], sizes = [1024, 128], strides = [1, 1]} : vector<1024x8192xf32> to vector<1024x128xf32>
    %add3A_211 = vector.broadcast %broadcast_in_dim3A : vector<1024x1xf32> to vector<1024x128xf32>
    %add3A_212 = arith.addf %add3A_211, %slice3A_210 : vector<1024x128xf32>
    %slice3A_213 = vector.extract_strided_slice %get3A_8 {offsets = [0, 2304], sizes = [1, 128], strides = [1, 1]} : vector<1x8192xf32> to vector<1x128xf32>
    %add3A_214 = vector.broadcast %slice3A_213 : vector<1x128xf32> to vector<1024x128xf32>
    %add3A_215 = arith.addf %add3A_212, %add3A_214 : vector<1024x128xf32>
    %lt3A_216 = arith.cmpf olt, %add3A_215, %select_n3A_206 : vector<1024x128xf32>
    %select_n3A_217 = arith.select %lt3A_216, %add3A_215, %select_n3A_206 : vector<1024x128xi1>, vector<1024x128xf32>
    %jit3A_218 = arith.constant 18 : i32
    %broadcast_in_dim3A_219 = vector.broadcast %jit3A_218 : i32 to vector<1024x128xi32>
    %select_n3A_220 = arith.select %lt3A_216, %broadcast_in_dim3A_219, %select_n3A_209 : vector<1024x128xi1>, vector<1024x128xi32>
    %slice3A_221 = vector.extract_strided_slice %dot_general3A_12 {offsets = [0, 2432], sizes = [1024, 128], strides = [1, 1]} : vector<1024x8192xf32> to vector<1024x128xf32>
    %add3A_222 = vector.broadcast %broadcast_in_dim3A : vector<1024x1xf32> to vector<1024x128xf32>
    %add3A_223 = arith.addf %add3A_222, %slice3A_221 : vector<1024x128xf32>
    %slice3A_224 = vector.extract_strided_slice %get3A_8 {offsets = [0, 2432], sizes = [1, 128], strides = [1, 1]} : vector<1x8192xf32> to vector<1x128xf32>
    %add3A_225 = vector.broadcast %slice3A_224 : vector<1x128xf32> to vector<1024x128xf32>
    %add3A_226 = arith.addf %add3A_223, %add3A_225 : vector<1024x128xf32>
    %lt3A_227 = arith.cmpf olt, %add3A_226, %select_n3A_217 : vector<1024x128xf32>
    %select_n3A_228 = arith.select %lt3A_227, %add3A_226, %select_n3A_217 : vector<1024x128xi1>, vector<1024x128xf32>
    %jit3A_229 = arith.constant 19 : i32
    %broadcast_in_dim3A_230 = vector.broadcast %jit3A_229 : i32 to vector<1024x128xi32>
    %select_n3A_231 = arith.select %lt3A_227, %broadcast_in_dim3A_230, %select_n3A_220 : vector<1024x128xi1>, vector<1024x128xi32>
    %slice3A_232 = vector.extract_strided_slice %dot_general3A_12 {offsets = [0, 2560], sizes = [1024, 128], strides = [1, 1]} : vector<1024x8192xf32> to vector<1024x128xf32>
    %add3A_233 = vector.broadcast %broadcast_in_dim3A : vector<1024x1xf32> to vector<1024x128xf32>
    %add3A_234 = arith.addf %add3A_233, %slice3A_232 : vector<1024x128xf32>
    %slice3A_235 = vector.extract_strided_slice %get3A_8 {offsets = [0, 2560], sizes = [1, 128], strides = [1, 1]} : vector<1x8192xf32> to vector<1x128xf32>
    %add3A_236 = vector.broadcast %slice3A_235 : vector<1x128xf32> to vector<1024x128xf32>
    %add3A_237 = arith.addf %add3A_234, %add3A_236 : vector<1024x128xf32>
    %lt3A_238 = arith.cmpf olt, %add3A_237, %select_n3A_228 : vector<1024x128xf32>
    %select_n3A_239 = arith.select %lt3A_238, %add3A_237, %select_n3A_228 : vector<1024x128xi1>, vector<1024x128xf32>
    %jit3A_240 = arith.constant 20 : i32
    %broadcast_in_dim3A_241 = vector.broadcast %jit3A_240 : i32 to vector<1024x128xi32>
    %select_n3A_242 = arith.select %lt3A_238, %broadcast_in_dim3A_241, %select_n3A_231 : vector<1024x128xi1>, vector<1024x128xi32>
    %slice3A_243 = vector.extract_strided_slice %dot_general3A_12 {offsets = [0, 2688], sizes = [1024, 128], strides = [1, 1]} : vector<1024x8192xf32> to vector<1024x128xf32>
    %add3A_244 = vector.broadcast %broadcast_in_dim3A : vector<1024x1xf32> to vector<1024x128xf32>
    %add3A_245 = arith.addf %add3A_244, %slice3A_243 : vector<1024x128xf32>
    %slice3A_246 = vector.extract_strided_slice %get3A_8 {offsets = [0, 2688], sizes = [1, 128], strides = [1, 1]} : vector<1x8192xf32> to vector<1x128xf32>
    %add3A_247 = vector.broadcast %slice3A_246 : vector<1x128xf32> to vector<1024x128xf32>
    %add3A_248 = arith.addf %add3A_245, %add3A_247 : vector<1024x128xf32>
    %lt3A_249 = arith.cmpf olt, %add3A_248, %select_n3A_239 : vector<1024x128xf32>
    %select_n3A_250 = arith.select %lt3A_249, %add3A_248, %select_n3A_239 : vector<1024x128xi1>, vector<1024x128xf32>
    %jit3A_251 = arith.constant 21 : i32
    %broadcast_in_dim3A_252 = vector.broadcast %jit3A_251 : i32 to vector<1024x128xi32>
    %select_n3A_253 = arith.select %lt3A_249, %broadcast_in_dim3A_252, %select_n3A_242 : vector<1024x128xi1>, vector<1024x128xi32>
    %slice3A_254 = vector.extract_strided_slice %dot_general3A_12 {offsets = [0, 2816], sizes = [1024, 128], strides = [1, 1]} : vector<1024x8192xf32> to vector<1024x128xf32>
    %add3A_255 = vector.broadcast %broadcast_in_dim3A : vector<1024x1xf32> to vector<1024x128xf32>
    %add3A_256 = arith.addf %add3A_255, %slice3A_254 : vector<1024x128xf32>
    %slice3A_257 = vector.extract_strided_slice %get3A_8 {offsets = [0, 2816], sizes = [1, 128], strides = [1, 1]} : vector<1x8192xf32> to vector<1x128xf32>
    %add3A_258 = vector.broadcast %slice3A_257 : vector<1x128xf32> to vector<1024x128xf32>
    %add3A_259 = arith.addf %add3A_256, %add3A_258 : vector<1024x128xf32>
    %lt3A_260 = arith.cmpf olt, %add3A_259, %select_n3A_250 : vector<1024x128xf32>
    %select_n3A_261 = arith.select %lt3A_260, %add3A_259, %select_n3A_250 : vector<1024x128xi1>, vector<1024x128xf32>
    %jit3A_262 = arith.constant 22 : i32
    %broadcast_in_dim3A_263 = vector.broadcast %jit3A_262 : i32 to vector<1024x128xi32>
    %select_n3A_264 = arith.select %lt3A_260, %broadcast_in_dim3A_263, %select_n3A_253 : vector<1024x128xi1>, vector<1024x128xi32>
    %slice3A_265 = vector.extract_strided_slice %dot_general3A_12 {offsets = [0, 2944], sizes = [1024, 128], strides = [1, 1]} : vector<1024x8192xf32> to vector<1024x128xf32>
    %add3A_266 = vector.broadcast %broadcast_in_dim3A : vector<1024x1xf32> to vector<1024x128xf32>
    %add3A_267 = arith.addf %add3A_266, %slice3A_265 : vector<1024x128xf32>
    %slice3A_268 = vector.extract_strided_slice %get3A_8 {offsets = [0, 2944], sizes = [1, 128], strides = [1, 1]} : vector<1x8192xf32> to vector<1x128xf32>
    %add3A_269 = vector.broadcast %slice3A_268 : vector<1x128xf32> to vector<1024x128xf32>
    %add3A_270 = arith.addf %add3A_267, %add3A_269 : vector<1024x128xf32>
    %lt3A_271 = arith.cmpf olt, %add3A_270, %select_n3A_261 : vector<1024x128xf32>
    %select_n3A_272 = arith.select %lt3A_271, %add3A_270, %select_n3A_261 : vector<1024x128xi1>, vector<1024x128xf32>
    %jit3A_273 = arith.constant 23 : i32
    %broadcast_in_dim3A_274 = vector.broadcast %jit3A_273 : i32 to vector<1024x128xi32>
    %select_n3A_275 = arith.select %lt3A_271, %broadcast_in_dim3A_274, %select_n3A_264 : vector<1024x128xi1>, vector<1024x128xi32>
    %slice3A_276 = vector.extract_strided_slice %dot_general3A_12 {offsets = [0, 3072], sizes = [1024, 128], strides = [1, 1]} : vector<1024x8192xf32> to vector<1024x128xf32>
    %add3A_277 = vector.broadcast %broadcast_in_dim3A : vector<1024x1xf32> to vector<1024x128xf32>
    %add3A_278 = arith.addf %add3A_277, %slice3A_276 : vector<1024x128xf32>
    %slice3A_279 = vector.extract_strided_slice %get3A_8 {offsets = [0, 3072], sizes = [1, 128], strides = [1, 1]} : vector<1x8192xf32> to vector<1x128xf32>
    %add3A_280 = vector.broadcast %slice3A_279 : vector<1x128xf32> to vector<1024x128xf32>
    %add3A_281 = arith.addf %add3A_278, %add3A_280 : vector<1024x128xf32>
    %lt3A_282 = arith.cmpf olt, %add3A_281, %select_n3A_272 : vector<1024x128xf32>
    %select_n3A_283 = arith.select %lt3A_282, %add3A_281, %select_n3A_272 : vector<1024x128xi1>, vector<1024x128xf32>
    %jit3A_284 = arith.constant 24 : i32
    %broadcast_in_dim3A_285 = vector.broadcast %jit3A_284 : i32 to vector<1024x128xi32>
    %select_n3A_286 = arith.select %lt3A_282, %broadcast_in_dim3A_285, %select_n3A_275 : vector<1024x128xi1>, vector<1024x128xi32>
    %slice3A_287 = vector.extract_strided_slice %dot_general3A_12 {offsets = [0, 3200], sizes = [1024, 128], strides = [1, 1]} : vector<1024x8192xf32> to vector<1024x128xf32>
    %add3A_288 = vector.broadcast %broadcast_in_dim3A : vector<1024x1xf32> to vector<1024x128xf32>
    %add3A_289 = arith.addf %add3A_288, %slice3A_287 : vector<1024x128xf32>
    %slice3A_290 = vector.extract_strided_slice %get3A_8 {offsets = [0, 3200], sizes = [1, 128], strides = [1, 1]} : vector<1x8192xf32> to vector<1x128xf32>
    %add3A_291 = vector.broadcast %slice3A_290 : vector<1x128xf32> to vector<1024x128xf32>
    %add3A_292 = arith.addf %add3A_289, %add3A_291 : vector<1024x128xf32>
    %lt3A_293 = arith.cmpf olt, %add3A_292, %select_n3A_283 : vector<1024x128xf32>
    %select_n3A_294 = arith.select %lt3A_293, %add3A_292, %select_n3A_283 : vector<1024x128xi1>, vector<1024x128xf32>
    %jit3A_295 = arith.constant 25 : i32
    %broadcast_in_dim3A_296 = vector.broadcast %jit3A_295 : i32 to vector<1024x128xi32>
    %select_n3A_297 = arith.select %lt3A_293, %broadcast_in_dim3A_296, %select_n3A_286 : vector<1024x128xi1>, vector<1024x128xi32>
    %slice3A_298 = vector.extract_strided_slice %dot_general3A_12 {offsets = [0, 3328], sizes = [1024, 128], strides = [1, 1]} : vector<1024x8192xf32> to vector<1024x128xf32>
    %add3A_299 = vector.broadcast %broadcast_in_dim3A : vector<1024x1xf32> to vector<1024x128xf32>
    %add3A_300 = arith.addf %add3A_299, %slice3A_298 : vector<1024x128xf32>
    %slice3A_301 = vector.extract_strided_slice %get3A_8 {offsets = [0, 3328], sizes = [1, 128], strides = [1, 1]} : vector<1x8192xf32> to vector<1x128xf32>
    %add3A_302 = vector.broadcast %slice3A_301 : vector<1x128xf32> to vector<1024x128xf32>
    %add3A_303 = arith.addf %add3A_300, %add3A_302 : vector<1024x128xf32>
    %lt3A_304 = arith.cmpf olt, %add3A_303, %select_n3A_294 : vector<1024x128xf32>
    %select_n3A_305 = arith.select %lt3A_304, %add3A_303, %select_n3A_294 : vector<1024x128xi1>, vector<1024x128xf32>
    %jit3A_306 = arith.constant 26 : i32
    %broadcast_in_dim3A_307 = vector.broadcast %jit3A_306 : i32 to vector<1024x128xi32>
    %select_n3A_308 = arith.select %lt3A_304, %broadcast_in_dim3A_307, %select_n3A_297 : vector<1024x128xi1>, vector<1024x128xi32>
    %slice3A_309 = vector.extract_strided_slice %dot_general3A_12 {offsets = [0, 3456], sizes = [1024, 128], strides = [1, 1]} : vector<1024x8192xf32> to vector<1024x128xf32>
    %add3A_310 = vector.broadcast %broadcast_in_dim3A : vector<1024x1xf32> to vector<1024x128xf32>
    %add3A_311 = arith.addf %add3A_310, %slice3A_309 : vector<1024x128xf32>
    %slice3A_312 = vector.extract_strided_slice %get3A_8 {offsets = [0, 3456], sizes = [1, 128], strides = [1, 1]} : vector<1x8192xf32> to vector<1x128xf32>
    %add3A_313 = vector.broadcast %slice3A_312 : vector<1x128xf32> to vector<1024x128xf32>
    %add3A_314 = arith.addf %add3A_311, %add3A_313 : vector<1024x128xf32>
    %lt3A_315 = arith.cmpf olt, %add3A_314, %select_n3A_305 : vector<1024x128xf32>
    %select_n3A_316 = arith.select %lt3A_315, %add3A_314, %select_n3A_305 : vector<1024x128xi1>, vector<1024x128xf32>
    %jit3A_317 = arith.constant 27 : i32
    %broadcast_in_dim3A_318 = vector.broadcast %jit3A_317 : i32 to vector<1024x128xi32>
    %select_n3A_319 = arith.select %lt3A_315, %broadcast_in_dim3A_318, %select_n3A_308 : vector<1024x128xi1>, vector<1024x128xi32>
    %slice3A_320 = vector.extract_strided_slice %dot_general3A_12 {offsets = [0, 3584], sizes = [1024, 128], strides = [1, 1]} : vector<1024x8192xf32> to vector<1024x128xf32>
    %add3A_321 = vector.broadcast %broadcast_in_dim3A : vector<1024x1xf32> to vector<1024x128xf32>
    %add3A_322 = arith.addf %add3A_321, %slice3A_320 : vector<1024x128xf32>
    %slice3A_323 = vector.extract_strided_slice %get3A_8 {offsets = [0, 3584], sizes = [1, 128], strides = [1, 1]} : vector<1x8192xf32> to vector<1x128xf32>
    %add3A_324 = vector.broadcast %slice3A_323 : vector<1x128xf32> to vector<1024x128xf32>
    %add3A_325 = arith.addf %add3A_322, %add3A_324 : vector<1024x128xf32>
    %lt3A_326 = arith.cmpf olt, %add3A_325, %select_n3A_316 : vector<1024x128xf32>
    %select_n3A_327 = arith.select %lt3A_326, %add3A_325, %select_n3A_316 : vector<1024x128xi1>, vector<1024x128xf32>
    %jit3A_328 = arith.constant 28 : i32
    %broadcast_in_dim3A_329 = vector.broadcast %jit3A_328 : i32 to vector<1024x128xi32>
    %select_n3A_330 = arith.select %lt3A_326, %broadcast_in_dim3A_329, %select_n3A_319 : vector<1024x128xi1>, vector<1024x128xi32>
    %slice3A_331 = vector.extract_strided_slice %dot_general3A_12 {offsets = [0, 3712], sizes = [1024, 128], strides = [1, 1]} : vector<1024x8192xf32> to vector<1024x128xf32>
    %add3A_332 = vector.broadcast %broadcast_in_dim3A : vector<1024x1xf32> to vector<1024x128xf32>
    %add3A_333 = arith.addf %add3A_332, %slice3A_331 : vector<1024x128xf32>
    %slice3A_334 = vector.extract_strided_slice %get3A_8 {offsets = [0, 3712], sizes = [1, 128], strides = [1, 1]} : vector<1x8192xf32> to vector<1x128xf32>
    %add3A_335 = vector.broadcast %slice3A_334 : vector<1x128xf32> to vector<1024x128xf32>
    %add3A_336 = arith.addf %add3A_333, %add3A_335 : vector<1024x128xf32>
    %lt3A_337 = arith.cmpf olt, %add3A_336, %select_n3A_327 : vector<1024x128xf32>
    %select_n3A_338 = arith.select %lt3A_337, %add3A_336, %select_n3A_327 : vector<1024x128xi1>, vector<1024x128xf32>
    %jit3A_339 = arith.constant 29 : i32
    %broadcast_in_dim3A_340 = vector.broadcast %jit3A_339 : i32 to vector<1024x128xi32>
    %select_n3A_341 = arith.select %lt3A_337, %broadcast_in_dim3A_340, %select_n3A_330 : vector<1024x128xi1>, vector<1024x128xi32>
    %slice3A_342 = vector.extract_strided_slice %dot_general3A_12 {offsets = [0, 3840], sizes = [1024, 128], strides = [1, 1]} : vector<1024x8192xf32> to vector<1024x128xf32>
    %add3A_343 = vector.broadcast %broadcast_in_dim3A : vector<1024x1xf32> to vector<1024x128xf32>
    %add3A_344 = arith.addf %add3A_343, %slice3A_342 : vector<1024x128xf32>
    %slice3A_345 = vector.extract_strided_slice %get3A_8 {offsets = [0, 3840], sizes = [1, 128], strides = [1, 1]} : vector<1x8192xf32> to vector<1x128xf32>
    %add3A_346 = vector.broadcast %slice3A_345 : vector<1x128xf32> to vector<1024x128xf32>
    %add3A_347 = arith.addf %add3A_344, %add3A_346 : vector<1024x128xf32>
    %lt3A_348 = arith.cmpf olt, %add3A_347, %select_n3A_338 : vector<1024x128xf32>
    %select_n3A_349 = arith.select %lt3A_348, %add3A_347, %select_n3A_338 : vector<1024x128xi1>, vector<1024x128xf32>
    %jit3A_350 = arith.constant 30 : i32
    %broadcast_in_dim3A_351 = vector.broadcast %jit3A_350 : i32 to vector<1024x128xi32>
    %select_n3A_352 = arith.select %lt3A_348, %broadcast_in_dim3A_351, %select_n3A_341 : vector<1024x128xi1>, vector<1024x128xi32>
    %slice3A_353 = vector.extract_strided_slice %dot_general3A_12 {offsets = [0, 3968], sizes = [1024, 128], strides = [1, 1]} : vector<1024x8192xf32> to vector<1024x128xf32>
    %add3A_354 = vector.broadcast %broadcast_in_dim3A : vector<1024x1xf32> to vector<1024x128xf32>
    %add3A_355 = arith.addf %add3A_354, %slice3A_353 : vector<1024x128xf32>
    %slice3A_356 = vector.extract_strided_slice %get3A_8 {offsets = [0, 3968], sizes = [1, 128], strides = [1, 1]} : vector<1x8192xf32> to vector<1x128xf32>
    %add3A_357 = vector.broadcast %slice3A_356 : vector<1x128xf32> to vector<1024x128xf32>
    %add3A_358 = arith.addf %add3A_355, %add3A_357 : vector<1024x128xf32>
    %lt3A_359 = arith.cmpf olt, %add3A_358, %select_n3A_349 : vector<1024x128xf32>
    %select_n3A_360 = arith.select %lt3A_359, %add3A_358, %select_n3A_349 : vector<1024x128xi1>, vector<1024x128xf32>
    %jit3A_361 = arith.constant 31 : i32
    %broadcast_in_dim3A_362 = vector.broadcast %jit3A_361 : i32 to vector<1024x128xi32>
    %select_n3A_363 = arith.select %lt3A_359, %broadcast_in_dim3A_362, %select_n3A_352 : vector<1024x128xi1>, vector<1024x128xi32>
    %slice3A_364 = vector.extract_strided_slice %dot_general3A_12 {offsets = [0, 4096], sizes = [1024, 128], strides = [1, 1]} : vector<1024x8192xf32> to vector<1024x128xf32>
    %add3A_365 = vector.broadcast %broadcast_in_dim3A : vector<1024x1xf32> to vector<1024x128xf32>
    %add3A_366 = arith.addf %add3A_365, %slice3A_364 : vector<1024x128xf32>
    %slice3A_367 = vector.extract_strided_slice %get3A_8 {offsets = [0, 4096], sizes = [1, 128], strides = [1, 1]} : vector<1x8192xf32> to vector<1x128xf32>
    %add3A_368 = vector.broadcast %slice3A_367 : vector<1x128xf32> to vector<1024x128xf32>
    %add3A_369 = arith.addf %add3A_366, %add3A_368 : vector<1024x128xf32>
    %lt3A_370 = arith.cmpf olt, %add3A_369, %select_n3A_360 : vector<1024x128xf32>
    %select_n3A_371 = arith.select %lt3A_370, %add3A_369, %select_n3A_360 : vector<1024x128xi1>, vector<1024x128xf32>
    %jit3A_372 = arith.constant 32 : i32
    %broadcast_in_dim3A_373 = vector.broadcast %jit3A_372 : i32 to vector<1024x128xi32>
    %select_n3A_374 = arith.select %lt3A_370, %broadcast_in_dim3A_373, %select_n3A_363 : vector<1024x128xi1>, vector<1024x128xi32>
    %slice3A_375 = vector.extract_strided_slice %dot_general3A_12 {offsets = [0, 4224], sizes = [1024, 128], strides = [1, 1]} : vector<1024x8192xf32> to vector<1024x128xf32>
    %add3A_376 = vector.broadcast %broadcast_in_dim3A : vector<1024x1xf32> to vector<1024x128xf32>
    %add3A_377 = arith.addf %add3A_376, %slice3A_375 : vector<1024x128xf32>
    %slice3A_378 = vector.extract_strided_slice %get3A_8 {offsets = [0, 4224], sizes = [1, 128], strides = [1, 1]} : vector<1x8192xf32> to vector<1x128xf32>
    %add3A_379 = vector.broadcast %slice3A_378 : vector<1x128xf32> to vector<1024x128xf32>
    %add3A_380 = arith.addf %add3A_377, %add3A_379 : vector<1024x128xf32>
    %lt3A_381 = arith.cmpf olt, %add3A_380, %select_n3A_371 : vector<1024x128xf32>
    %select_n3A_382 = arith.select %lt3A_381, %add3A_380, %select_n3A_371 : vector<1024x128xi1>, vector<1024x128xf32>
    %jit3A_383 = arith.constant 33 : i32
    %broadcast_in_dim3A_384 = vector.broadcast %jit3A_383 : i32 to vector<1024x128xi32>
    %select_n3A_385 = arith.select %lt3A_381, %broadcast_in_dim3A_384, %select_n3A_374 : vector<1024x128xi1>, vector<1024x128xi32>
    %slice3A_386 = vector.extract_strided_slice %dot_general3A_12 {offsets = [0, 4352], sizes = [1024, 128], strides = [1, 1]} : vector<1024x8192xf32> to vector<1024x128xf32>
    %add3A_387 = vector.broadcast %broadcast_in_dim3A : vector<1024x1xf32> to vector<1024x128xf32>
    %add3A_388 = arith.addf %add3A_387, %slice3A_386 : vector<1024x128xf32>
    %slice3A_389 = vector.extract_strided_slice %get3A_8 {offsets = [0, 4352], sizes = [1, 128], strides = [1, 1]} : vector<1x8192xf32> to vector<1x128xf32>
    %add3A_390 = vector.broadcast %slice3A_389 : vector<1x128xf32> to vector<1024x128xf32>
    %add3A_391 = arith.addf %add3A_388, %add3A_390 : vector<1024x128xf32>
    %lt3A_392 = arith.cmpf olt, %add3A_391, %select_n3A_382 : vector<1024x128xf32>
    %select_n3A_393 = arith.select %lt3A_392, %add3A_391, %select_n3A_382 : vector<1024x128xi1>, vector<1024x128xf32>
    %jit3A_394 = arith.constant 34 : i32
    %broadcast_in_dim3A_395 = vector.broadcast %jit3A_394 : i32 to vector<1024x128xi32>
    %select_n3A_396 = arith.select %lt3A_392, %broadcast_in_dim3A_395, %select_n3A_385 : vector<1024x128xi1>, vector<1024x128xi32>
    %slice3A_397 = vector.extract_strided_slice %dot_general3A_12 {offsets = [0, 4480], sizes = [1024, 128], strides = [1, 1]} : vector<1024x8192xf32> to vector<1024x128xf32>
    %add3A_398 = vector.broadcast %broadcast_in_dim3A : vector<1024x1xf32> to vector<1024x128xf32>
    %add3A_399 = arith.addf %add3A_398, %slice3A_397 : vector<1024x128xf32>
    %slice3A_400 = vector.extract_strided_slice %get3A_8 {offsets = [0, 4480], sizes = [1, 128], strides = [1, 1]} : vector<1x8192xf32> to vector<1x128xf32>
    %add3A_401 = vector.broadcast %slice3A_400 : vector<1x128xf32> to vector<1024x128xf32>
    %add3A_402 = arith.addf %add3A_399, %add3A_401 : vector<1024x128xf32>
    %lt3A_403 = arith.cmpf olt, %add3A_402, %select_n3A_393 : vector<1024x128xf32>
    %select_n3A_404 = arith.select %lt3A_403, %add3A_402, %select_n3A_393 : vector<1024x128xi1>, vector<1024x128xf32>
    %jit3A_405 = arith.constant 35 : i32
    %broadcast_in_dim3A_406 = vector.broadcast %jit3A_405 : i32 to vector<1024x128xi32>
    %select_n3A_407 = arith.select %lt3A_403, %broadcast_in_dim3A_406, %select_n3A_396 : vector<1024x128xi1>, vector<1024x128xi32>
    %slice3A_408 = vector.extract_strided_slice %dot_general3A_12 {offsets = [0, 4608], sizes = [1024, 128], strides = [1, 1]} : vector<1024x8192xf32> to vector<1024x128xf32>
    %add3A_409 = vector.broadcast %broadcast_in_dim3A : vector<1024x1xf32> to vector<1024x128xf32>
    %add3A_410 = arith.addf %add3A_409, %slice3A_408 : vector<1024x128xf32>
    %slice3A_411 = vector.extract_strided_slice %get3A_8 {offsets = [0, 4608], sizes = [1, 128], strides = [1, 1]} : vector<1x8192xf32> to vector<1x128xf32>
    %add3A_412 = vector.broadcast %slice3A_411 : vector<1x128xf32> to vector<1024x128xf32>
    %add3A_413 = arith.addf %add3A_410, %add3A_412 : vector<1024x128xf32>
    %lt3A_414 = arith.cmpf olt, %add3A_413, %select_n3A_404 : vector<1024x128xf32>
    %select_n3A_415 = arith.select %lt3A_414, %add3A_413, %select_n3A_404 : vector<1024x128xi1>, vector<1024x128xf32>
    %jit3A_416 = arith.constant 36 : i32
    %broadcast_in_dim3A_417 = vector.broadcast %jit3A_416 : i32 to vector<1024x128xi32>
    %select_n3A_418 = arith.select %lt3A_414, %broadcast_in_dim3A_417, %select_n3A_407 : vector<1024x128xi1>, vector<1024x128xi32>
    %slice3A_419 = vector.extract_strided_slice %dot_general3A_12 {offsets = [0, 4736], sizes = [1024, 128], strides = [1, 1]} : vector<1024x8192xf32> to vector<1024x128xf32>
    %add3A_420 = vector.broadcast %broadcast_in_dim3A : vector<1024x1xf32> to vector<1024x128xf32>
    %add3A_421 = arith.addf %add3A_420, %slice3A_419 : vector<1024x128xf32>
    %slice3A_422 = vector.extract_strided_slice %get3A_8 {offsets = [0, 4736], sizes = [1, 128], strides = [1, 1]} : vector<1x8192xf32> to vector<1x128xf32>
    %add3A_423 = vector.broadcast %slice3A_422 : vector<1x128xf32> to vector<1024x128xf32>
    %add3A_424 = arith.addf %add3A_421, %add3A_423 : vector<1024x128xf32>
    %lt3A_425 = arith.cmpf olt, %add3A_424, %select_n3A_415 : vector<1024x128xf32>
    %select_n3A_426 = arith.select %lt3A_425, %add3A_424, %select_n3A_415 : vector<1024x128xi1>, vector<1024x128xf32>
    %jit3A_427 = arith.constant 37 : i32
    %broadcast_in_dim3A_428 = vector.broadcast %jit3A_427 : i32 to vector<1024x128xi32>
    %select_n3A_429 = arith.select %lt3A_425, %broadcast_in_dim3A_428, %select_n3A_418 : vector<1024x128xi1>, vector<1024x128xi32>
    %slice3A_430 = vector.extract_strided_slice %dot_general3A_12 {offsets = [0, 4864], sizes = [1024, 128], strides = [1, 1]} : vector<1024x8192xf32> to vector<1024x128xf32>
    %add3A_431 = vector.broadcast %broadcast_in_dim3A : vector<1024x1xf32> to vector<1024x128xf32>
    %add3A_432 = arith.addf %add3A_431, %slice3A_430 : vector<1024x128xf32>
    %slice3A_433 = vector.extract_strided_slice %get3A_8 {offsets = [0, 4864], sizes = [1, 128], strides = [1, 1]} : vector<1x8192xf32> to vector<1x128xf32>
    %add3A_434 = vector.broadcast %slice3A_433 : vector<1x128xf32> to vector<1024x128xf32>
    %add3A_435 = arith.addf %add3A_432, %add3A_434 : vector<1024x128xf32>
    %lt3A_436 = arith.cmpf olt, %add3A_435, %select_n3A_426 : vector<1024x128xf32>
    %select_n3A_437 = arith.select %lt3A_436, %add3A_435, %select_n3A_426 : vector<1024x128xi1>, vector<1024x128xf32>
    %jit3A_438 = arith.constant 38 : i32
    %broadcast_in_dim3A_439 = vector.broadcast %jit3A_438 : i32 to vector<1024x128xi32>
    %select_n3A_440 = arith.select %lt3A_436, %broadcast_in_dim3A_439, %select_n3A_429 : vector<1024x128xi1>, vector<1024x128xi32>
    %slice3A_441 = vector.extract_strided_slice %dot_general3A_12 {offsets = [0, 4992], sizes = [1024, 128], strides = [1, 1]} : vector<1024x8192xf32> to vector<1024x128xf32>
    %add3A_442 = vector.broadcast %broadcast_in_dim3A : vector<1024x1xf32> to vector<1024x128xf32>
    %add3A_443 = arith.addf %add3A_442, %slice3A_441 : vector<1024x128xf32>
    %slice3A_444 = vector.extract_strided_slice %get3A_8 {offsets = [0, 4992], sizes = [1, 128], strides = [1, 1]} : vector<1x8192xf32> to vector<1x128xf32>
    %add3A_445 = vector.broadcast %slice3A_444 : vector<1x128xf32> to vector<1024x128xf32>
    %add3A_446 = arith.addf %add3A_443, %add3A_445 : vector<1024x128xf32>
    %lt3A_447 = arith.cmpf olt, %add3A_446, %select_n3A_437 : vector<1024x128xf32>
    %select_n3A_448 = arith.select %lt3A_447, %add3A_446, %select_n3A_437 : vector<1024x128xi1>, vector<1024x128xf32>
    %jit3A_449 = arith.constant 39 : i32
    %broadcast_in_dim3A_450 = vector.broadcast %jit3A_449 : i32 to vector<1024x128xi32>
    %select_n3A_451 = arith.select %lt3A_447, %broadcast_in_dim3A_450, %select_n3A_440 : vector<1024x128xi1>, vector<1024x128xi32>
    %slice3A_452 = vector.extract_strided_slice %dot_general3A_12 {offsets = [0, 5120], sizes = [1024, 128], strides = [1, 1]} : vector<1024x8192xf32> to vector<1024x128xf32>
    %add3A_453 = vector.broadcast %broadcast_in_dim3A : vector<1024x1xf32> to vector<1024x128xf32>
    %add3A_454 = arith.addf %add3A_453, %slice3A_452 : vector<1024x128xf32>
    %slice3A_455 = vector.extract_strided_slice %get3A_8 {offsets = [0, 5120], sizes = [1, 128], strides = [1, 1]} : vector<1x8192xf32> to vector<1x128xf32>
    %add3A_456 = vector.broadcast %slice3A_455 : vector<1x128xf32> to vector<1024x128xf32>
    %add3A_457 = arith.addf %add3A_454, %add3A_456 : vector<1024x128xf32>
    %lt3A_458 = arith.cmpf olt, %add3A_457, %select_n3A_448 : vector<1024x128xf32>
    %select_n3A_459 = arith.select %lt3A_458, %add3A_457, %select_n3A_448 : vector<1024x128xi1>, vector<1024x128xf32>
    %jit3A_460 = arith.constant 40 : i32
    %broadcast_in_dim3A_461 = vector.broadcast %jit3A_460 : i32 to vector<1024x128xi32>
    %select_n3A_462 = arith.select %lt3A_458, %broadcast_in_dim3A_461, %select_n3A_451 : vector<1024x128xi1>, vector<1024x128xi32>
    %slice3A_463 = vector.extract_strided_slice %dot_general3A_12 {offsets = [0, 5248], sizes = [1024, 128], strides = [1, 1]} : vector<1024x8192xf32> to vector<1024x128xf32>
    %add3A_464 = vector.broadcast %broadcast_in_dim3A : vector<1024x1xf32> to vector<1024x128xf32>
    %add3A_465 = arith.addf %add3A_464, %slice3A_463 : vector<1024x128xf32>
    %slice3A_466 = vector.extract_strided_slice %get3A_8 {offsets = [0, 5248], sizes = [1, 128], strides = [1, 1]} : vector<1x8192xf32> to vector<1x128xf32>
    %add3A_467 = vector.broadcast %slice3A_466 : vector<1x128xf32> to vector<1024x128xf32>
    %add3A_468 = arith.addf %add3A_465, %add3A_467 : vector<1024x128xf32>
    %lt3A_469 = arith.cmpf olt, %add3A_468, %select_n3A_459 : vector<1024x128xf32>
    %select_n3A_470 = arith.select %lt3A_469, %add3A_468, %select_n3A_459 : vector<1024x128xi1>, vector<1024x128xf32>
    %jit3A_471 = arith.constant 41 : i32
    %broadcast_in_dim3A_472 = vector.broadcast %jit3A_471 : i32 to vector<1024x128xi32>
    %select_n3A_473 = arith.select %lt3A_469, %broadcast_in_dim3A_472, %select_n3A_462 : vector<1024x128xi1>, vector<1024x128xi32>
    %slice3A_474 = vector.extract_strided_slice %dot_general3A_12 {offsets = [0, 5376], sizes = [1024, 128], strides = [1, 1]} : vector<1024x8192xf32> to vector<1024x128xf32>
    %add3A_475 = vector.broadcast %broadcast_in_dim3A : vector<1024x1xf32> to vector<1024x128xf32>
    %add3A_476 = arith.addf %add3A_475, %slice3A_474 : vector<1024x128xf32>
    %slice3A_477 = vector.extract_strided_slice %get3A_8 {offsets = [0, 5376], sizes = [1, 128], strides = [1, 1]} : vector<1x8192xf32> to vector<1x128xf32>
    %add3A_478 = vector.broadcast %slice3A_477 : vector<1x128xf32> to vector<1024x128xf32>
    %add3A_479 = arith.addf %add3A_476, %add3A_478 : vector<1024x128xf32>
    %lt3A_480 = arith.cmpf olt, %add3A_479, %select_n3A_470 : vector<1024x128xf32>
    %select_n3A_481 = arith.select %lt3A_480, %add3A_479, %select_n3A_470 : vector<1024x128xi1>, vector<1024x128xf32>
    %jit3A_482 = arith.constant 42 : i32
    %broadcast_in_dim3A_483 = vector.broadcast %jit3A_482 : i32 to vector<1024x128xi32>
    %select_n3A_484 = arith.select %lt3A_480, %broadcast_in_dim3A_483, %select_n3A_473 : vector<1024x128xi1>, vector<1024x128xi32>
    %slice3A_485 = vector.extract_strided_slice %dot_general3A_12 {offsets = [0, 5504], sizes = [1024, 128], strides = [1, 1]} : vector<1024x8192xf32> to vector<1024x128xf32>
    %add3A_486 = vector.broadcast %broadcast_in_dim3A : vector<1024x1xf32> to vector<1024x128xf32>
    %add3A_487 = arith.addf %add3A_486, %slice3A_485 : vector<1024x128xf32>
    %slice3A_488 = vector.extract_strided_slice %get3A_8 {offsets = [0, 5504], sizes = [1, 128], strides = [1, 1]} : vector<1x8192xf32> to vector<1x128xf32>
    %add3A_489 = vector.broadcast %slice3A_488 : vector<1x128xf32> to vector<1024x128xf32>
    %add3A_490 = arith.addf %add3A_487, %add3A_489 : vector<1024x128xf32>
    %lt3A_491 = arith.cmpf olt, %add3A_490, %select_n3A_481 : vector<1024x128xf32>
    %select_n3A_492 = arith.select %lt3A_491, %add3A_490, %select_n3A_481 : vector<1024x128xi1>, vector<1024x128xf32>
    %jit3A_493 = arith.constant 43 : i32
    %broadcast_in_dim3A_494 = vector.broadcast %jit3A_493 : i32 to vector<1024x128xi32>
    %select_n3A_495 = arith.select %lt3A_491, %broadcast_in_dim3A_494, %select_n3A_484 : vector<1024x128xi1>, vector<1024x128xi32>
    %slice3A_496 = vector.extract_strided_slice %dot_general3A_12 {offsets = [0, 5632], sizes = [1024, 128], strides = [1, 1]} : vector<1024x8192xf32> to vector<1024x128xf32>
    %add3A_497 = vector.broadcast %broadcast_in_dim3A : vector<1024x1xf32> to vector<1024x128xf32>
    %add3A_498 = arith.addf %add3A_497, %slice3A_496 : vector<1024x128xf32>
    %slice3A_499 = vector.extract_strided_slice %get3A_8 {offsets = [0, 5632], sizes = [1, 128], strides = [1, 1]} : vector<1x8192xf32> to vector<1x128xf32>
    %add3A_500 = vector.broadcast %slice3A_499 : vector<1x128xf32> to vector<1024x128xf32>
    %add3A_501 = arith.addf %add3A_498, %add3A_500 : vector<1024x128xf32>
    %lt3A_502 = arith.cmpf olt, %add3A_501, %select_n3A_492 : vector<1024x128xf32>
    %select_n3A_503 = arith.select %lt3A_502, %add3A_501, %select_n3A_492 : vector<1024x128xi1>, vector<1024x128xf32>
    %jit3A_504 = arith.constant 44 : i32
    %broadcast_in_dim3A_505 = vector.broadcast %jit3A_504 : i32 to vector<1024x128xi32>
    %select_n3A_506 = arith.select %lt3A_502, %broadcast_in_dim3A_505, %select_n3A_495 : vector<1024x128xi1>, vector<1024x128xi32>
    %slice3A_507 = vector.extract_strided_slice %dot_general3A_12 {offsets = [0, 5760], sizes = [1024, 128], strides = [1, 1]} : vector<1024x8192xf32> to vector<1024x128xf32>
    %add3A_508 = vector.broadcast %broadcast_in_dim3A : vector<1024x1xf32> to vector<1024x128xf32>
    %add3A_509 = arith.addf %add3A_508, %slice3A_507 : vector<1024x128xf32>
    %slice3A_510 = vector.extract_strided_slice %get3A_8 {offsets = [0, 5760], sizes = [1, 128], strides = [1, 1]} : vector<1x8192xf32> to vector<1x128xf32>
    %add3A_511 = vector.broadcast %slice3A_510 : vector<1x128xf32> to vector<1024x128xf32>
    %add3A_512 = arith.addf %add3A_509, %add3A_511 : vector<1024x128xf32>
    %lt3A_513 = arith.cmpf olt, %add3A_512, %select_n3A_503 : vector<1024x128xf32>
    %select_n3A_514 = arith.select %lt3A_513, %add3A_512, %select_n3A_503 : vector<1024x128xi1>, vector<1024x128xf32>
    %jit3A_515 = arith.constant 45 : i32
    %broadcast_in_dim3A_516 = vector.broadcast %jit3A_515 : i32 to vector<1024x128xi32>
    %select_n3A_517 = arith.select %lt3A_513, %broadcast_in_dim3A_516, %select_n3A_506 : vector<1024x128xi1>, vector<1024x128xi32>
    %slice3A_518 = vector.extract_strided_slice %dot_general3A_12 {offsets = [0, 5888], sizes = [1024, 128], strides = [1, 1]} : vector<1024x8192xf32> to vector<1024x128xf32>
    %add3A_519 = vector.broadcast %broadcast_in_dim3A : vector<1024x1xf32> to vector<1024x128xf32>
    %add3A_520 = arith.addf %add3A_519, %slice3A_518 : vector<1024x128xf32>
    %slice3A_521 = vector.extract_strided_slice %get3A_8 {offsets = [0, 5888], sizes = [1, 128], strides = [1, 1]} : vector<1x8192xf32> to vector<1x128xf32>
    %add3A_522 = vector.broadcast %slice3A_521 : vector<1x128xf32> to vector<1024x128xf32>
    %add3A_523 = arith.addf %add3A_520, %add3A_522 : vector<1024x128xf32>
    %lt3A_524 = arith.cmpf olt, %add3A_523, %select_n3A_514 : vector<1024x128xf32>
    %select_n3A_525 = arith.select %lt3A_524, %add3A_523, %select_n3A_514 : vector<1024x128xi1>, vector<1024x128xf32>
    %jit3A_526 = arith.constant 46 : i32
    %broadcast_in_dim3A_527 = vector.broadcast %jit3A_526 : i32 to vector<1024x128xi32>
    %select_n3A_528 = arith.select %lt3A_524, %broadcast_in_dim3A_527, %select_n3A_517 : vector<1024x128xi1>, vector<1024x128xi32>
    %slice3A_529 = vector.extract_strided_slice %dot_general3A_12 {offsets = [0, 6016], sizes = [1024, 128], strides = [1, 1]} : vector<1024x8192xf32> to vector<1024x128xf32>
    %add3A_530 = vector.broadcast %broadcast_in_dim3A : vector<1024x1xf32> to vector<1024x128xf32>
    %add3A_531 = arith.addf %add3A_530, %slice3A_529 : vector<1024x128xf32>
    %slice3A_532 = vector.extract_strided_slice %get3A_8 {offsets = [0, 6016], sizes = [1, 128], strides = [1, 1]} : vector<1x8192xf32> to vector<1x128xf32>
    %add3A_533 = vector.broadcast %slice3A_532 : vector<1x128xf32> to vector<1024x128xf32>
    %add3A_534 = arith.addf %add3A_531, %add3A_533 : vector<1024x128xf32>
    %lt3A_535 = arith.cmpf olt, %add3A_534, %select_n3A_525 : vector<1024x128xf32>
    %select_n3A_536 = arith.select %lt3A_535, %add3A_534, %select_n3A_525 : vector<1024x128xi1>, vector<1024x128xf32>
    %jit3A_537 = arith.constant 47 : i32
    %broadcast_in_dim3A_538 = vector.broadcast %jit3A_537 : i32 to vector<1024x128xi32>
    %select_n3A_539 = arith.select %lt3A_535, %broadcast_in_dim3A_538, %select_n3A_528 : vector<1024x128xi1>, vector<1024x128xi32>
    %slice3A_540 = vector.extract_strided_slice %dot_general3A_12 {offsets = [0, 6144], sizes = [1024, 128], strides = [1, 1]} : vector<1024x8192xf32> to vector<1024x128xf32>
    %add3A_541 = vector.broadcast %broadcast_in_dim3A : vector<1024x1xf32> to vector<1024x128xf32>
    %add3A_542 = arith.addf %add3A_541, %slice3A_540 : vector<1024x128xf32>
    %slice3A_543 = vector.extract_strided_slice %get3A_8 {offsets = [0, 6144], sizes = [1, 128], strides = [1, 1]} : vector<1x8192xf32> to vector<1x128xf32>
    %add3A_544 = vector.broadcast %slice3A_543 : vector<1x128xf32> to vector<1024x128xf32>
    %add3A_545 = arith.addf %add3A_542, %add3A_544 : vector<1024x128xf32>
    %lt3A_546 = arith.cmpf olt, %add3A_545, %select_n3A_536 : vector<1024x128xf32>
    %select_n3A_547 = arith.select %lt3A_546, %add3A_545, %select_n3A_536 : vector<1024x128xi1>, vector<1024x128xf32>
    %jit3A_548 = arith.constant 48 : i32
    %broadcast_in_dim3A_549 = vector.broadcast %jit3A_548 : i32 to vector<1024x128xi32>
    %select_n3A_550 = arith.select %lt3A_546, %broadcast_in_dim3A_549, %select_n3A_539 : vector<1024x128xi1>, vector<1024x128xi32>
    %slice3A_551 = vector.extract_strided_slice %dot_general3A_12 {offsets = [0, 6272], sizes = [1024, 128], strides = [1, 1]} : vector<1024x8192xf32> to vector<1024x128xf32>
    %add3A_552 = vector.broadcast %broadcast_in_dim3A : vector<1024x1xf32> to vector<1024x128xf32>
    %add3A_553 = arith.addf %add3A_552, %slice3A_551 : vector<1024x128xf32>
    %slice3A_554 = vector.extract_strided_slice %get3A_8 {offsets = [0, 6272], sizes = [1, 128], strides = [1, 1]} : vector<1x8192xf32> to vector<1x128xf32>
    %add3A_555 = vector.broadcast %slice3A_554 : vector<1x128xf32> to vector<1024x128xf32>
    %add3A_556 = arith.addf %add3A_553, %add3A_555 : vector<1024x128xf32>
    %lt3A_557 = arith.cmpf olt, %add3A_556, %select_n3A_547 : vector<1024x128xf32>
    %select_n3A_558 = arith.select %lt3A_557, %add3A_556, %select_n3A_547 : vector<1024x128xi1>, vector<1024x128xf32>
    %jit3A_559 = arith.constant 49 : i32
    %broadcast_in_dim3A_560 = vector.broadcast %jit3A_559 : i32 to vector<1024x128xi32>
    %select_n3A_561 = arith.select %lt3A_557, %broadcast_in_dim3A_560, %select_n3A_550 : vector<1024x128xi1>, vector<1024x128xi32>
    %slice3A_562 = vector.extract_strided_slice %dot_general3A_12 {offsets = [0, 6400], sizes = [1024, 128], strides = [1, 1]} : vector<1024x8192xf32> to vector<1024x128xf32>
    %add3A_563 = vector.broadcast %broadcast_in_dim3A : vector<1024x1xf32> to vector<1024x128xf32>
    %add3A_564 = arith.addf %add3A_563, %slice3A_562 : vector<1024x128xf32>
    %slice3A_565 = vector.extract_strided_slice %get3A_8 {offsets = [0, 6400], sizes = [1, 128], strides = [1, 1]} : vector<1x8192xf32> to vector<1x128xf32>
    %add3A_566 = vector.broadcast %slice3A_565 : vector<1x128xf32> to vector<1024x128xf32>
    %add3A_567 = arith.addf %add3A_564, %add3A_566 : vector<1024x128xf32>
    %lt3A_568 = arith.cmpf olt, %add3A_567, %select_n3A_558 : vector<1024x128xf32>
    %select_n3A_569 = arith.select %lt3A_568, %add3A_567, %select_n3A_558 : vector<1024x128xi1>, vector<1024x128xf32>
    %jit3A_570 = arith.constant 50 : i32
    %broadcast_in_dim3A_571 = vector.broadcast %jit3A_570 : i32 to vector<1024x128xi32>
    %select_n3A_572 = arith.select %lt3A_568, %broadcast_in_dim3A_571, %select_n3A_561 : vector<1024x128xi1>, vector<1024x128xi32>
    %slice3A_573 = vector.extract_strided_slice %dot_general3A_12 {offsets = [0, 6528], sizes = [1024, 128], strides = [1, 1]} : vector<1024x8192xf32> to vector<1024x128xf32>
    %add3A_574 = vector.broadcast %broadcast_in_dim3A : vector<1024x1xf32> to vector<1024x128xf32>
    %add3A_575 = arith.addf %add3A_574, %slice3A_573 : vector<1024x128xf32>
    %slice3A_576 = vector.extract_strided_slice %get3A_8 {offsets = [0, 6528], sizes = [1, 128], strides = [1, 1]} : vector<1x8192xf32> to vector<1x128xf32>
    %add3A_577 = vector.broadcast %slice3A_576 : vector<1x128xf32> to vector<1024x128xf32>
    %add3A_578 = arith.addf %add3A_575, %add3A_577 : vector<1024x128xf32>
    %lt3A_579 = arith.cmpf olt, %add3A_578, %select_n3A_569 : vector<1024x128xf32>
    %select_n3A_580 = arith.select %lt3A_579, %add3A_578, %select_n3A_569 : vector<1024x128xi1>, vector<1024x128xf32>
    %jit3A_581 = arith.constant 51 : i32
    %broadcast_in_dim3A_582 = vector.broadcast %jit3A_581 : i32 to vector<1024x128xi32>
    %select_n3A_583 = arith.select %lt3A_579, %broadcast_in_dim3A_582, %select_n3A_572 : vector<1024x128xi1>, vector<1024x128xi32>
    %slice3A_584 = vector.extract_strided_slice %dot_general3A_12 {offsets = [0, 6656], sizes = [1024, 128], strides = [1, 1]} : vector<1024x8192xf32> to vector<1024x128xf32>
    %add3A_585 = vector.broadcast %broadcast_in_dim3A : vector<1024x1xf32> to vector<1024x128xf32>
    %add3A_586 = arith.addf %add3A_585, %slice3A_584 : vector<1024x128xf32>
    %slice3A_587 = vector.extract_strided_slice %get3A_8 {offsets = [0, 6656], sizes = [1, 128], strides = [1, 1]} : vector<1x8192xf32> to vector<1x128xf32>
    %add3A_588 = vector.broadcast %slice3A_587 : vector<1x128xf32> to vector<1024x128xf32>
    %add3A_589 = arith.addf %add3A_586, %add3A_588 : vector<1024x128xf32>
    %lt3A_590 = arith.cmpf olt, %add3A_589, %select_n3A_580 : vector<1024x128xf32>
    %select_n3A_591 = arith.select %lt3A_590, %add3A_589, %select_n3A_580 : vector<1024x128xi1>, vector<1024x128xf32>
    %jit3A_592 = arith.constant 52 : i32
    %broadcast_in_dim3A_593 = vector.broadcast %jit3A_592 : i32 to vector<1024x128xi32>
    %select_n3A_594 = arith.select %lt3A_590, %broadcast_in_dim3A_593, %select_n3A_583 : vector<1024x128xi1>, vector<1024x128xi32>
    %slice3A_595 = vector.extract_strided_slice %dot_general3A_12 {offsets = [0, 6784], sizes = [1024, 128], strides = [1, 1]} : vector<1024x8192xf32> to vector<1024x128xf32>
    %add3A_596 = vector.broadcast %broadcast_in_dim3A : vector<1024x1xf32> to vector<1024x128xf32>
    %add3A_597 = arith.addf %add3A_596, %slice3A_595 : vector<1024x128xf32>
    %slice3A_598 = vector.extract_strided_slice %get3A_8 {offsets = [0, 6784], sizes = [1, 128], strides = [1, 1]} : vector<1x8192xf32> to vector<1x128xf32>
    %add3A_599 = vector.broadcast %slice3A_598 : vector<1x128xf32> to vector<1024x128xf32>
    %add3A_600 = arith.addf %add3A_597, %add3A_599 : vector<1024x128xf32>
    %lt3A_601 = arith.cmpf olt, %add3A_600, %select_n3A_591 : vector<1024x128xf32>
    %select_n3A_602 = arith.select %lt3A_601, %add3A_600, %select_n3A_591 : vector<1024x128xi1>, vector<1024x128xf32>
    %jit3A_603 = arith.constant 53 : i32
    %broadcast_in_dim3A_604 = vector.broadcast %jit3A_603 : i32 to vector<1024x128xi32>
    %select_n3A_605 = arith.select %lt3A_601, %broadcast_in_dim3A_604, %select_n3A_594 : vector<1024x128xi1>, vector<1024x128xi32>
    %slice3A_606 = vector.extract_strided_slice %dot_general3A_12 {offsets = [0, 6912], sizes = [1024, 128], strides = [1, 1]} : vector<1024x8192xf32> to vector<1024x128xf32>
    %add3A_607 = vector.broadcast %broadcast_in_dim3A : vector<1024x1xf32> to vector<1024x128xf32>
    %add3A_608 = arith.addf %add3A_607, %slice3A_606 : vector<1024x128xf32>
    %slice3A_609 = vector.extract_strided_slice %get3A_8 {offsets = [0, 6912], sizes = [1, 128], strides = [1, 1]} : vector<1x8192xf32> to vector<1x128xf32>
    %add3A_610 = vector.broadcast %slice3A_609 : vector<1x128xf32> to vector<1024x128xf32>
    %add3A_611 = arith.addf %add3A_608, %add3A_610 : vector<1024x128xf32>
    %lt3A_612 = arith.cmpf olt, %add3A_611, %select_n3A_602 : vector<1024x128xf32>
    %select_n3A_613 = arith.select %lt3A_612, %add3A_611, %select_n3A_602 : vector<1024x128xi1>, vector<1024x128xf32>
    %jit3A_614 = arith.constant 54 : i32
    %broadcast_in_dim3A_615 = vector.broadcast %jit3A_614 : i32 to vector<1024x128xi32>
    %select_n3A_616 = arith.select %lt3A_612, %broadcast_in_dim3A_615, %select_n3A_605 : vector<1024x128xi1>, vector<1024x128xi32>
    %slice3A_617 = vector.extract_strided_slice %dot_general3A_12 {offsets = [0, 7040], sizes = [1024, 128], strides = [1, 1]} : vector<1024x8192xf32> to vector<1024x128xf32>
    %add3A_618 = vector.broadcast %broadcast_in_dim3A : vector<1024x1xf32> to vector<1024x128xf32>
    %add3A_619 = arith.addf %add3A_618, %slice3A_617 : vector<1024x128xf32>
    %slice3A_620 = vector.extract_strided_slice %get3A_8 {offsets = [0, 7040], sizes = [1, 128], strides = [1, 1]} : vector<1x8192xf32> to vector<1x128xf32>
    %add3A_621 = vector.broadcast %slice3A_620 : vector<1x128xf32> to vector<1024x128xf32>
    %add3A_622 = arith.addf %add3A_619, %add3A_621 : vector<1024x128xf32>
    %lt3A_623 = arith.cmpf olt, %add3A_622, %select_n3A_613 : vector<1024x128xf32>
    %select_n3A_624 = arith.select %lt3A_623, %add3A_622, %select_n3A_613 : vector<1024x128xi1>, vector<1024x128xf32>
    %jit3A_625 = arith.constant 55 : i32
    %broadcast_in_dim3A_626 = vector.broadcast %jit3A_625 : i32 to vector<1024x128xi32>
    %select_n3A_627 = arith.select %lt3A_623, %broadcast_in_dim3A_626, %select_n3A_616 : vector<1024x128xi1>, vector<1024x128xi32>
    %slice3A_628 = vector.extract_strided_slice %dot_general3A_12 {offsets = [0, 7168], sizes = [1024, 128], strides = [1, 1]} : vector<1024x8192xf32> to vector<1024x128xf32>
    %add3A_629 = vector.broadcast %broadcast_in_dim3A : vector<1024x1xf32> to vector<1024x128xf32>
    %add3A_630 = arith.addf %add3A_629, %slice3A_628 : vector<1024x128xf32>
    %slice3A_631 = vector.extract_strided_slice %get3A_8 {offsets = [0, 7168], sizes = [1, 128], strides = [1, 1]} : vector<1x8192xf32> to vector<1x128xf32>
    %add3A_632 = vector.broadcast %slice3A_631 : vector<1x128xf32> to vector<1024x128xf32>
    %add3A_633 = arith.addf %add3A_630, %add3A_632 : vector<1024x128xf32>
    %lt3A_634 = arith.cmpf olt, %add3A_633, %select_n3A_624 : vector<1024x128xf32>
    %select_n3A_635 = arith.select %lt3A_634, %add3A_633, %select_n3A_624 : vector<1024x128xi1>, vector<1024x128xf32>
    %jit3A_636 = arith.constant 56 : i32
    %broadcast_in_dim3A_637 = vector.broadcast %jit3A_636 : i32 to vector<1024x128xi32>
    %select_n3A_638 = arith.select %lt3A_634, %broadcast_in_dim3A_637, %select_n3A_627 : vector<1024x128xi1>, vector<1024x128xi32>
    %slice3A_639 = vector.extract_strided_slice %dot_general3A_12 {offsets = [0, 7296], sizes = [1024, 128], strides = [1, 1]} : vector<1024x8192xf32> to vector<1024x128xf32>
    %add3A_640 = vector.broadcast %broadcast_in_dim3A : vector<1024x1xf32> to vector<1024x128xf32>
    %add3A_641 = arith.addf %add3A_640, %slice3A_639 : vector<1024x128xf32>
    %slice3A_642 = vector.extract_strided_slice %get3A_8 {offsets = [0, 7296], sizes = [1, 128], strides = [1, 1]} : vector<1x8192xf32> to vector<1x128xf32>
    %add3A_643 = vector.broadcast %slice3A_642 : vector<1x128xf32> to vector<1024x128xf32>
    %add3A_644 = arith.addf %add3A_641, %add3A_643 : vector<1024x128xf32>
    %lt3A_645 = arith.cmpf olt, %add3A_644, %select_n3A_635 : vector<1024x128xf32>
    %select_n3A_646 = arith.select %lt3A_645, %add3A_644, %select_n3A_635 : vector<1024x128xi1>, vector<1024x128xf32>
    %jit3A_647 = arith.constant 57 : i32
    %broadcast_in_dim3A_648 = vector.broadcast %jit3A_647 : i32 to vector<1024x128xi32>
    %select_n3A_649 = arith.select %lt3A_645, %broadcast_in_dim3A_648, %select_n3A_638 : vector<1024x128xi1>, vector<1024x128xi32>
    %slice3A_650 = vector.extract_strided_slice %dot_general3A_12 {offsets = [0, 7424], sizes = [1024, 128], strides = [1, 1]} : vector<1024x8192xf32> to vector<1024x128xf32>
    %add3A_651 = vector.broadcast %broadcast_in_dim3A : vector<1024x1xf32> to vector<1024x128xf32>
    %add3A_652 = arith.addf %add3A_651, %slice3A_650 : vector<1024x128xf32>
    %slice3A_653 = vector.extract_strided_slice %get3A_8 {offsets = [0, 7424], sizes = [1, 128], strides = [1, 1]} : vector<1x8192xf32> to vector<1x128xf32>
    %add3A_654 = vector.broadcast %slice3A_653 : vector<1x128xf32> to vector<1024x128xf32>
    %add3A_655 = arith.addf %add3A_652, %add3A_654 : vector<1024x128xf32>
    %lt3A_656 = arith.cmpf olt, %add3A_655, %select_n3A_646 : vector<1024x128xf32>
    %select_n3A_657 = arith.select %lt3A_656, %add3A_655, %select_n3A_646 : vector<1024x128xi1>, vector<1024x128xf32>
    %jit3A_658 = arith.constant 58 : i32
    %broadcast_in_dim3A_659 = vector.broadcast %jit3A_658 : i32 to vector<1024x128xi32>
    %select_n3A_660 = arith.select %lt3A_656, %broadcast_in_dim3A_659, %select_n3A_649 : vector<1024x128xi1>, vector<1024x128xi32>
    %slice3A_661 = vector.extract_strided_slice %dot_general3A_12 {offsets = [0, 7552], sizes = [1024, 128], strides = [1, 1]} : vector<1024x8192xf32> to vector<1024x128xf32>
    %add3A_662 = vector.broadcast %broadcast_in_dim3A : vector<1024x1xf32> to vector<1024x128xf32>
    %add3A_663 = arith.addf %add3A_662, %slice3A_661 : vector<1024x128xf32>
    %slice3A_664 = vector.extract_strided_slice %get3A_8 {offsets = [0, 7552], sizes = [1, 128], strides = [1, 1]} : vector<1x8192xf32> to vector<1x128xf32>
    %add3A_665 = vector.broadcast %slice3A_664 : vector<1x128xf32> to vector<1024x128xf32>
    %add3A_666 = arith.addf %add3A_663, %add3A_665 : vector<1024x128xf32>
    %lt3A_667 = arith.cmpf olt, %add3A_666, %select_n3A_657 : vector<1024x128xf32>
    %select_n3A_668 = arith.select %lt3A_667, %add3A_666, %select_n3A_657 : vector<1024x128xi1>, vector<1024x128xf32>
    %jit3A_669 = arith.constant 59 : i32
    %broadcast_in_dim3A_670 = vector.broadcast %jit3A_669 : i32 to vector<1024x128xi32>
    %select_n3A_671 = arith.select %lt3A_667, %broadcast_in_dim3A_670, %select_n3A_660 : vector<1024x128xi1>, vector<1024x128xi32>
    %slice3A_672 = vector.extract_strided_slice %dot_general3A_12 {offsets = [0, 7680], sizes = [1024, 128], strides = [1, 1]} : vector<1024x8192xf32> to vector<1024x128xf32>
    %add3A_673 = vector.broadcast %broadcast_in_dim3A : vector<1024x1xf32> to vector<1024x128xf32>
    %add3A_674 = arith.addf %add3A_673, %slice3A_672 : vector<1024x128xf32>
    %slice3A_675 = vector.extract_strided_slice %get3A_8 {offsets = [0, 7680], sizes = [1, 128], strides = [1, 1]} : vector<1x8192xf32> to vector<1x128xf32>
    %add3A_676 = vector.broadcast %slice3A_675 : vector<1x128xf32> to vector<1024x128xf32>
    %add3A_677 = arith.addf %add3A_674, %add3A_676 : vector<1024x128xf32>
    %lt3A_678 = arith.cmpf olt, %add3A_677, %select_n3A_668 : vector<1024x128xf32>
    %select_n3A_679 = arith.select %lt3A_678, %add3A_677, %select_n3A_668 : vector<1024x128xi1>, vector<1024x128xf32>
    %jit3A_680 = arith.constant 60 : i32
    %broadcast_in_dim3A_681 = vector.broadcast %jit3A_680 : i32 to vector<1024x128xi32>
    %select_n3A_682 = arith.select %lt3A_678, %broadcast_in_dim3A_681, %select_n3A_671 : vector<1024x128xi1>, vector<1024x128xi32>
    %slice3A_683 = vector.extract_strided_slice %dot_general3A_12 {offsets = [0, 7808], sizes = [1024, 128], strides = [1, 1]} : vector<1024x8192xf32> to vector<1024x128xf32>
    %add3A_684 = vector.broadcast %broadcast_in_dim3A : vector<1024x1xf32> to vector<1024x128xf32>
    %add3A_685 = arith.addf %add3A_684, %slice3A_683 : vector<1024x128xf32>
    %slice3A_686 = vector.extract_strided_slice %get3A_8 {offsets = [0, 7808], sizes = [1, 128], strides = [1, 1]} : vector<1x8192xf32> to vector<1x128xf32>
    %add3A_687 = vector.broadcast %slice3A_686 : vector<1x128xf32> to vector<1024x128xf32>
    %add3A_688 = arith.addf %add3A_685, %add3A_687 : vector<1024x128xf32>
    %lt3A_689 = arith.cmpf olt, %add3A_688, %select_n3A_679 : vector<1024x128xf32>
    %select_n3A_690 = arith.select %lt3A_689, %add3A_688, %select_n3A_679 : vector<1024x128xi1>, vector<1024x128xf32>
    %jit3A_691 = arith.constant 61 : i32
    %broadcast_in_dim3A_692 = vector.broadcast %jit3A_691 : i32 to vector<1024x128xi32>
    %select_n3A_693 = arith.select %lt3A_689, %broadcast_in_dim3A_692, %select_n3A_682 : vector<1024x128xi1>, vector<1024x128xi32>
    %slice3A_694 = vector.extract_strided_slice %dot_general3A_12 {offsets = [0, 7936], sizes = [1024, 128], strides = [1, 1]} : vector<1024x8192xf32> to vector<1024x128xf32>
    %add3A_695 = vector.broadcast %broadcast_in_dim3A : vector<1024x1xf32> to vector<1024x128xf32>
    %add3A_696 = arith.addf %add3A_695, %slice3A_694 : vector<1024x128xf32>
    %slice3A_697 = vector.extract_strided_slice %get3A_8 {offsets = [0, 7936], sizes = [1, 128], strides = [1, 1]} : vector<1x8192xf32> to vector<1x128xf32>
    %add3A_698 = vector.broadcast %slice3A_697 : vector<1x128xf32> to vector<1024x128xf32>
    %add3A_699 = arith.addf %add3A_696, %add3A_698 : vector<1024x128xf32>
    %lt3A_700 = arith.cmpf olt, %add3A_699, %select_n3A_690 : vector<1024x128xf32>
    %select_n3A_701 = arith.select %lt3A_700, %add3A_699, %select_n3A_690 : vector<1024x128xi1>, vector<1024x128xf32>
    %jit3A_702 = arith.constant 62 : i32
    %broadcast_in_dim3A_703 = vector.broadcast %jit3A_702 : i32 to vector<1024x128xi32>
    %select_n3A_704 = arith.select %lt3A_700, %broadcast_in_dim3A_703, %select_n3A_693 : vector<1024x128xi1>, vector<1024x128xi32>
    %slice3A_705 = vector.extract_strided_slice %dot_general3A_12 {offsets = [0, 8064], sizes = [1024, 128], strides = [1, 1]} : vector<1024x8192xf32> to vector<1024x128xf32>
    %add3A_706 = vector.broadcast %broadcast_in_dim3A : vector<1024x1xf32> to vector<1024x128xf32>
    %add3A_707 = arith.addf %add3A_706, %slice3A_705 : vector<1024x128xf32>
    %slice3A_708 = vector.extract_strided_slice %get3A_8 {offsets = [0, 8064], sizes = [1, 128], strides = [1, 1]} : vector<1x8192xf32> to vector<1x128xf32>
    %add3A_709 = vector.broadcast %slice3A_708 : vector<1x128xf32> to vector<1024x128xf32>
    %add3A_710 = arith.addf %add3A_707, %add3A_709 : vector<1024x128xf32>
    %lt3A_711 = arith.cmpf olt, %add3A_710, %select_n3A_701 : vector<1024x128xf32>
    %select_n3A_712 = arith.select %lt3A_711, %add3A_710, %select_n3A_701 : vector<1024x128xi1>, vector<1024x128xf32>
    %jit3A_713 = arith.constant 63 : i32
    %broadcast_in_dim3A_714 = vector.broadcast %jit3A_713 : i32 to vector<1024x128xi32>
    %select_n3A_715 = arith.select %lt3A_711, %broadcast_in_dim3A_714, %select_n3A_704 : vector<1024x128xi1>, vector<1024x128xi32>
    %reduce_min3A = arith.constant dense<0x7F800000> : vector<1024xf32>
    %reduce_min3A_716 = vector.multi_reduction <minimumf>, %select_n3A_712, %reduce_min3A [1] : vector<1024x128xf32> to vector<1024xf32>
    %broadcast_in_dim3A_717 = vector.shape_cast %reduce_min3A_716 : vector<1024xf32> to vector<1024x1xf32>
    %iota3A = tpu.iota {dimensions = array<i32: 1>} : vector<1024x128xi32>
    %eq3A = vector.broadcast %broadcast_in_dim3A_717 : vector<1024x1xf32> to vector<1024x128xf32>
    %eq3A_718 = arith.cmpf oeq, %select_n3A_712, %eq3A : vector<1024x128xf32>
    %mul3A_719 = arith.constant 128 : i32
    %mul3A_720 = vector.broadcast %mul3A_719 : i32 to vector<1024x128xi32>
    %mul3A_721 = arith.muli %select_n3A_715, %mul3A_720 : vector<1024x128xi32>
    %add3A_722 = arith.addi %mul3A_721, %iota3A : vector<1024x128xi32>
    %jit3A_723 = arith.constant 8192 : i32
    %broadcast_in_dim3A_724 = vector.broadcast %jit3A_723 : i32 to vector<1024x128xi32>
    %select_n3A_725 = arith.select %eq3A_718, %add3A_722, %broadcast_in_dim3A_724 : vector<1024x128xi1>, vector<1024x128xi32>
    %reduce_min3A_726 = arith.constant dense<2147483647> : vector<1024xi32>
    %reduce_min3A_727 = vector.multi_reduction <minsi>, %select_n3A_725, %reduce_min3A_726 [1] : vector<1024x128xi32> to vector<1024xi32>
    %swap3A = arith.constant 0 : index
    %swap3A_728 = arith.constant 0 : index
    %swap3A_729 = arith.constant 0 : index
    %swap3A_730 = vector.load %arg4[%swap3A, %swap3A_728, %swap3A_729] : memref<1x1x1024xi32, #tpu.memory_space<vmem>>, vector<1x1x1024xi32>
    %swap3A_731 = vector.shape_cast %swap3A_730 : vector<1x1x1024xi32> to vector<1024xi32>
    %swap3A_732 = vector.shape_cast %reduce_min3A_727 : vector<1024xi32> to vector<1x1x1024xi32>
    tpu.vector_store %arg4[%swap3A, %swap3A_728, %swap3A_729], %swap3A_732 {strides = array<i32>} : memref<1x1x1024xi32, #tpu.memory_space<vmem>>, vector<1x1x1024xi32>,
    %reduce_sum3A_733 = vector.shape_cast %broadcast_in_dim3A_717 : vector<1024x1xf32> to vector<1x1024x1xf32>
    %reduce_sum3A_734 = arith.constant dense<0.000000e+00> : vector<1xf32>
    %reduce_sum3A_735 = vector.multi_reduction <add>, %reduce_sum3A_733, %reduce_sum3A_734 [1, 2] : vector<1x1024x1xf32> to vector<1xf32>
    %reduce_sum3A_736 = vector.shape_cast %reduce_sum3A_735 : vector<1xf32> to vector<1x1x1xf32>
    %reduce_sum3A_737 = vector.extract %reduce_sum3A_736[0, 0, 0] : f32 from vector<1x1x1xf32>
    %mul3A_738 = arith.constant 1.1920929E-7 : f32
    %mul3A_739 = arith.mulf %reduce_sum3A_737, %mul3A_738 : f32
    %swap3A_740 = arith.constant 0 : index
    %swap3A_741 = arith.constant 0 : index
    %swap3A_742 = arith.constant 0 : index
    %swap3A_743 = memref.load %arg5[%swap3A_740, %swap3A_741, %swap3A_742] : memref<1x1x1xf32, #tpu.memory_space<smem>>
    memref.store %mul3A_739, %arg5[%swap3A_740, %swap3A_741, %swap3A_742] : memref<1x1x1xf32, #tpu.memory_space<smem>>
    return
  }
  func.func @transform_0(%arg0: i32) -> (i32, i32) {
    %c0_i32 = arith.constant 0 : i32
    %c0_i32_0 = arith.constant 0 : i32
    return %arg0, %c0_i32 : i32, i32
  }
  func.func @transform_1(%arg0: i32) -> (i32, i32) {
    %c0_i32 = arith.constant 0 : i32
    %c0_i32_0 = arith.constant 0 : i32
    %c0_i32_1 = arith.constant 0 : i32
    return %c0_i32, %c0_i32_0 : i32, i32
  }
  func.func @transform_2(%arg0: i32) -> (i32, i32) {
    %c0_i32 = arith.constant 0 : i32
    %c0_i32_0 = arith.constant 0 : i32
    %c0_i32_1 = arith.constant 0 : i32
    return %c0_i32, %c0_i32_0 : i32, i32
  }
  func.func @transform_3(%arg0: i32) -> (i32, i32, i32) {
    %c0_i32 = arith.constant 0 : i32
    %c0_i32_0 = arith.constant 0 : i32
    %c0_i32_1 = arith.constant 0 : i32
    return %arg0, %c0_i32, %c0_i32_0 : i32, i32, i32
  }
  func.func @transform_4(%arg0: i32) -> (i32, i32, i32) {
    %c0_i32 = arith.constant 0 : i32
    %c0_i32_0 = arith.constant 0 : i32
    %c0_i32_1 = arith.constant 0 : i32
    return %arg0, %c0_i32, %c0_i32_0 : i32, i32, i32
  }
}

</mosaic_0001>

<sc_bundles>
// kernel: kernel.5.cloned.1.call-start
scs
__scs_entry_jumppad:
0x0: {  	(pc) =	sbr.rel $0x88, $3  }
0x1: {  	(tag) =	ssettag $0x0;
	lr =	simm.s32 $0x1  }
0x2: {  	[smem:$0x3F9F] =	sst lr;
	_ =	strace $0xD0000000  }
0x3: {  	_ = 	snop  }
0x4: {  	_ = 	snop  }
0x5: {  	_ = 	snop  }
0x6: {  	_ = 	snop  }
0x7: {  	_ = 	snop  }
__scs_overlays_trampoline_lowered:
0x8: {  	[smem:$0x3FAE] =	sst s0  }
0x9: {  	[smem:$0x3FAF] =	sst s1  }
0xa: {  	[smem:$0x3FB0] =	sst s2  }
0xb: {  	[smem:$0x3FB1] =	sst s3  }
0xc: {  	[smem:$0x3FB2] =	sst s4  }
0xd: {  	[smem:$0x3FB3] =	sst s5  }
0xe: {  	[smem:$0x3FB4] =	sst s6  }
0xf: {  	[smem:$0x3FB5] =	sst s7  }
0x10: {  	[smem:$0x3FB6] =	sst s8  }
0x11: {  	[smem:$0x3FB7] =	sst s9;
	s0 =	simm.s32 @!p0 $0x0  }
0x12: {  	s1 =	sld [smem:$0x3F9D];
	s0 =	simm.s32 @p0 $0x1  }
0x13: {  	[smem:$0x3FB8] =	sst s0;
	s0 =	simm.s32 @!p1 $0x0  }
0x14: {  	s2 =	sld [smem:$0x3F9C];
	s0 =	simm.s32 @p1 $0x1  }
0x15: {  	[smem:$0x3FB9] =	sst s0;
	s0 =	simm.s32 @!p2 $0x0  }
0x16: {  	s3 =	sld [smem:$0x3FDB];
	s0 =	simm.s32 @p2 $0x1  }
0x17: {  	s4 =	simm.s32 $0x1BF5;
	[smem:$0x3FBB] =	sst s0  }
0x18: {  	s0 =	sld [smem:$0x3F9E];
	_ =	swait.ge [sflag:s4], $0x0  }
0x19: {  	s7 =	sld [smem:$0x3F9F]  }
0x1a: {  	s8 =	sadd.s32 $0xFFFFE003, lr  }
0x1b: {  	s9 =	sadd.s32 $0xFFFFFEF7, lr;
	s5 =	simm.s32 $0xFFFFFFFF;
	p2 =	slt.u32 s8, $0xFFFFF086  }
0x1c: {  	p1 =	slt.u32 s9, $0xF7A;
	s5 =	simm.s32 @!p2 $0x0  }
0x1d: {  	s5 =	simm.s32 @p1 $0x1;
	p0 =	seq.s32 s7, s2  }
0x1e: {  	s7 =	smul.u32 @!p0 $0xF7A, s2;
	p2 =	seq.s32 @!p0 s5, $0x0  }
0x1f: {  	s9 =	smul.u32 $0xF7A, s1;
	s8 =	simm.s32 @!p0 $0x1BF5;
	p2 =	por !p2, p0  }
0x20: {  	[sflag:s8] =	ssyncset.s32 @!p0 $0xFFFFF086;
	s6 =	sadd.s32 @!p0 s3, s7;
	s7 =	simm.s32 @!p0 $0x108  }
0x21: {  	s3 =	sadd.s32 s3, s9;
	s6 =	sadd.s32 @!p0 $0x88, s6;
	s7 =	simm.s32 @p2 $0x1082  }
0x22: {  	[simem:s7], [sflag:s8] =	dma.local @!p0 [hbm:s6], $0xF7A  }
0x23: {  	s9 =	sor.u32 $0xD0000000, s2;
	s6 =	simm.s32 $0x108;
	_ =	swait.ge @!p0 [sflag:s8], $0x0  }
0x24: {  	s3 =	sadd.s32 $0x88, s3;
	s6 =	simm.s32 @!p1 $0x1082;
	[sflag:s4] =	ssyncset.s32 $0xFFFFF086  }
0x25: {  	[simem:s6], [sflag:s4] =	dma.local [hbm:s3], $0xF7A  }
0x26: {  	[smem:$0x3F9F] =	sst s1;
	(tag) =	ssettag s2;
	_ =	strace s9  }
0x27: {  	s1 =	sld [smem:$0x3FAF]  }
0x28: {  	s2 =	sld [smem:$0x3FB0]  }
0x29: {  	s4 =	sld [smem:$0x3FB2]  }
0x2a: {  	p0 =	seq.s32 s5, $0x0;
	s5 =	sld [smem:$0x3FB3]  }
0x2b: {  	s6 =	sld [smem:$0x3FB4]  }
0x2c: {  	s7 =	sld [smem:$0x3FB5]  }
0x2d: {  	s3 =	simm.s32 $0x108;
	s8 =	sld [smem:$0x3FB6]  }
0x2e: {  	s3 =	simm.s32 @!p0 $0x1082;
	s9 =	sld [smem:$0x3FB7]  }
0x2f: {  	lr =	sadd.s32 s0, s3;
	s0 =	sld [smem:$0x3FAE]  }
0x30: {  	s3 =	sld [smem:$0x3FB1]  }
0x31: {  	[smem:$0x3FBA] =	sst s10  }
0x32: {  	s10 =	sld [smem:$0x3FB8];
	_ =	sdelay $0x3  }
0x33: {  	p0 =	seq.s32 s10, $0x1;
	s10 =	sld [smem:$0x3FBA];
	_ =	sdelay $0x3  }
0x34: {  	[smem:$0x3FBA] =	sst s10  }
0x35: {  	s10 =	sld [smem:$0x3FB9];
	_ =	sdelay $0x3  }
0x36: {  	p1 =	seq.s32 s10, $0x1;
	s10 =	sld [smem:$0x3FBA];
	_ =	sdelay $0x3  }
0x37: {  	[smem:$0x3FBA] =	sst s10  }
0x38: {  	s10 =	sld [smem:$0x3FBB]  }
0x39: {  	_ = 	snop;
	(pc) =	sbr.ind lr, $3  }
0x3a: {  	_ = 	snop  }
0x3b: {  	_ = 	snop  }
0x3c: {  	p2 =	seq.s32 s10, $0x1;
	s10 =	sld [smem:$0x3FBA]  }
0x3d: {  	_ =	shalt  }
0x3e: {  	_ =	shalt  }
0x3f: {  	_ =	shalt  }
0x40: {  	_ =	shalt  }
0x41: {  	_ =	shalt  }
0x42: {  	_ =	shalt  }
0x43: {  	_ =	shalt  }
0x44: {  	_ =	shalt  }
0x45: {  	_ =	shalt  }
0x46: {  	_ =	shalt  }
0x47: {  	_ =	shalt  }
0x48: {  	_ =	shalt  }
0x49: {  	_ =	shalt  }
0x4a: {  	_ =	shalt  }
0x4b: {  	_ =	shalt  }
0x4c: {  	_ =	shalt  }
0x4d: {  	_ =	shalt  }
0x4e: {  	_ =	shalt  }
0x4f: {  	_ =	shalt  }
0x50: {  	_ =	shalt  }
0x51: {  	_ =	shalt  }
0x52: {  	_ =	shalt  }
0x53: {  	_ =	shalt  }
0x54: {  	_ =	shalt  }
0x55: {  	_ =	shalt  }
0x56: {  	_ =	shalt  }
0x57: {  	_ =	shalt  }
0x58: {  	_ =	shalt  }
0x59: {  	_ =	shalt  }
0x5a: {  	_ =	shalt  }
0x5b: {  	_ =	shalt  }
0x5c: {  	_ =	shalt  }
0x5d: {  	_ =	shalt  }
0x5e: {  	_ =	shalt  }
0x5f: {  	_ =	shalt  }
0x60: {  	_ =	shalt  }
0x61: {  	_ =	shalt  }
0x62: {  	_ =	shalt  }
0x63: {  	_ =	shalt  }
0x64: {  	_ =	shalt  }
0x65: {  	_ =	shalt  }
0x66: {  	_ =	shalt  }
0x67: {  	_ =	shalt  }
0x68: {  	_ =	shalt  }
0x69: {  	_ =	shalt  }
0x6a: {  	_ =	shalt  }
0x6b: {  	_ =	shalt  }
0x6c: {  	_ =	shalt  }
0x6d: {  	_ =	shalt  }
0x6e: {  	_ =	shalt  }
0x6f: {  	_ =	shalt  }
0x70: {  	_ =	shalt  }
0x71: {  	_ =	shalt  }
0x72: {  	_ =	shalt  }
0x73: {  	_ =	shalt  }
0x74: {  	_ =	shalt  }
0x75: {  	_ =	shalt  }
0x76: {  	_ =	shalt  }
0x77: {  	_ =	shalt  }
0x78: {  	_ =	shalt  }
0x79: {  	_ =	shalt  }
0x7a: {  	_ =	shalt  }
0x7b: {  	_ =	shalt  }
0x7c: {  	_ =	shalt  }
0x7d: {  	_ =	shalt  }
0x7e: {  	_ =	shalt  }
0x7f: {  	_ =	shalt  }
0x80: {  	_ =	shalt  }
0x81: {  	_ =	shalt  }
0x82: {  	_ =	shalt  }
0x83: {  	_ =	shalt  }
0x84: {  	_ =	shalt  }
0x85: {  	_ =	shalt  }
0x86: {  	_ =	shalt  }
0x87: {  	_ =	shalt  }
.Lfunc_end0:
.L_simem_size_0:
called_computation_lowered:
.L_overlay_start_0:
0x88: {  	s2 =	sld [smem:$0x3FD9]  }
0x89: {  	s3 =	sld [smem:$0x3FFE];
	_ =	sdelay $0x1  }
0x8a: {  	s1 =	srdreg.scid  }
0x8b: {  	s0 =	sand.u32 $0x1, s1  }
0x8c: {  	s15 =	sshll.u32 s0, $0xA;
	s2 =	sadd.s32 s3, s2  }
0x8d: {  	s2 =	sadd.s32 s2, s15  }
0x8e: {  	[smem:$0x3FC6] =	sst s2  }
0x8f: {  	_ = 	snop  }
0x90: {  	s2 =	sld [smem:$0x3FD0];
	_ =	sdelay $0x2  }
0x91: {  	s4 =	simm.s32 $0xA;
	s5 =	simm.s32 $0x10;
	s16 =	sld [smem:$0x3FC8]  }
0x92: {  	[smem:s5], [sflag:s4] =	dma.local [hbm:s2], $0x1  }
0x93: {  	_ =	swait.eq [sflag:s4], $0x1  }
0x94: {  	[sflag:s4] =	ssyncset.done $0x0  }
0x95: {  	s17 =	sld [smem:$0x10];
	[sflag:s4] =	ssyncadd.s32 $0xFFFFFFFF  }
0x96: {  	s18 =	sld [smem:$0x11];
	(tm) =	ssettm $0x1  }
0x97: {  	s19 =	sld [smem:$0x3FFB];
	_ =	sdelay $0x3  }
0x98: {  	_ =	strace s19  }
0x99: {  	s5 =	sld [smem:$0x3FFC];
	_ =	sdelay $0x3  }
0x9a: {  	_ =	strace s5  }
0x9b: {  	s5 =	sld [smem:$0x3FFD];
	_ =	sdelay $0x3  }
0x9c: {  	_ =	strace s5  }
0x9d: {  	_ =	strace $0x8FFFFFFF  }
0x9e: {  	s20 =	sld [smem:$0x3FDB];
	_ =	sdelay $0x1  }
0x9f: {  	s6 =	simm.s32 $_scs_section_size  }
0xa0: {  	s7 =	simm.s32 $_size__tile_overlayer_lowered;
	s8 =	simm.s32 $_tile_overlayer_lowered  }
0xa1: {  	s23 =	simm.s32 $0x1BFF;
	s22 =	sshll.u32 s8, $0x1;
	s5 =	sadd.s32 s6, s20  }
0xa2: {  	s9 =	simm.s32 $0x0;
	s21 =	sshll.u32 s7, $0x1;
	s7 =	sadd.s32 s22, s5  }
0xa3: {  	[timem:s9], [sflag:s23] =	dma.local [hbm:s7], s21  }
0xa4: {  	_ =	swait.ge [sflag:s23], s21  }
0xa5: {  	s6 =	ssub.s32 $0x0, s21;
	[sflag:s23] =	ssyncset.done $0x0  }
0xa6: {  	[sflag:s23] =	ssyncadd.s32 s6;
	_ =	sdelay $0x1  }
0xa7: {  	s24 =	simm.s32 $0x1B8B  }
0xa8: {  	_ =	swait.ge [sflag:s24], $0x1  }
0xa9: {  	[sflag:s24] =	ssyncset.done $0x0  }
0xaa: {  	s25 =	simm.s32 $0x1B8E;
	[sflag:s24] =	ssyncadd.s32 $0xFFFFFFFF  }
0xab: {  	s26 =	simm.s32 $execute0_lowered;
	[smem:$0x3FD2] =	sst s25  }
0xac: {  	s6 =	sshll.u32 s26, $0x1;
	_ =	strace $0x80000046;
	[dreg:$0x1] =	wrdreg $0xFFFFFFFF  }
0xad: {  	s28 =	simm.s32 $_size_execute0_lowered;
	s5 =	sadd.s32 s5, s6;
	[dreg:$0x0] =	wrdreg $0x0  }
0xae: {  	s6 =	sshll.u32 s28, $0x1;
	[dreg:$0x2] =	wrdreg s5  }
0xaf: {  	[dreg:$0x3] =	wrdreg s6  }
0xb0: {  	[dreg:$0x4] =	wrdreg $0xC0  }
0xb1: {  	_ =	task [dreg:s9], $0x5FFFF  }
0xb2: {  	[dreg:$0x1] =	wrdreg $0xFFFFFFFF  }
0xb3: {  	[dreg:$0x0] =	wrdreg $0x60  }
0xb4: {  	[dreg:$0x2] =	wrdreg s16  }
0xb5: {  	[dreg:$0x3] =	wrdreg s18  }
0xb6: {  	[dreg:$0x4] =	wrdreg s17  }
0xb7: {  	[dreg:$0x5] =	wrdreg $0x9  }
0xb8: {  	_ =	task.clear_ibuf [dreg:s9], $0x6FFFF;
	_ =	strace $0x90000046  }
0xb9: {  	s29 =	simm.s32 $0x9;
	_ =	strace $0x80000048  }
0xba: {  	_ =	swait.ge [sflag:s29], $0x1  }
0xbb: {  	[sflag:s29] =	ssyncadd.s32 $0xFFFFFFFF  }
0xbc: {  	_ =	strace $0x90000048  }
0xbd: {  	_ =	sfence  }
0xbe: {  	s30 =	sld [smem:$0x0];
	_ =	sdelay $0x2  }
0xbf: {  	s31 =	sshll.u32 s1, $0xD;
	s1 =	sshrl.u32 s1, $0x2  }
0xc0: {  	s3 =	sand.u32 $0x4000, s31;
	s1 =	sadd.s32 s1, s30  }
0xc1: {  	s0 =	sor.u32 s3, s0;
	s1 =	sshll.u32 s1, $0x11  }
0xc2: {  	s0 =	sor.u32 s1, s0  }
0xc3: {  	s0 =	sadd.s32 $0x8F2B, s0  }
0xc4: {  	[sflag:s0] =	ssyncadd.remote.s32 $0x1  }
0xc5: {  	_ =	sfence.sel $0xFFFF  }
0xc6: {  	[dreg:$0x0] =	wrdreg $0xFFFFFFFF;
	(pc) =	sbr.abs _section_cstart, $3  }
0xc7: {  	[dreg:$0x1] =	wrdreg $0xFFFFFFFF  }
0xc8: {  	_ =	task.clear_ibuf [dreg:s9], $0x2FFFF;
	_ =	strace $0x9FFFFFFF  }
0xc9: {  	(tm) =	ssettm $0x7FFFFFFF  }
tec
execute0_lowered:
.L_overlay_start_1:
0x0: {  	(tag) =	ssettag $0x1  }
0x1: {  	s1 =	rddreg [dreg:$0x0];
	s0 =	srdreg.scid  }
0x2: {  	s2 =	rddreg [dreg:$0x1];
	s3 =	stileid.u32  }
0x3: {  	s4 =	rddreg [dreg:$0x2];
	s28 =	simm.s32 $0x400;
	s12 =	simm.s32 $0x1  }
0x4: {  	s14 =	simm.s32 $0x2;
	s15 =	simm.s32 $0x4;
	s16 =	simm.s32 $0x3  }
0x5: {  	s17 =	simm.s32 $0x5;
	s18 =	simm.s32 $0x6;
	s29 =	simm.s32 $0x4400  }
0x6: {  	s30 =	simm.s32 $0x4C00;
	s31 =	simm.s32 $0x5400;
	s0 =	sand.u32 $0x1, s0  }
0x7: {  	s7 =	simm.s32 $0x12400;
	s5 =	sshll.u32 s3, $0xB;
	s6 =	sshll.u32 s0, $0xA  }
0x8: {  	s8 =	simm.s32 $0x12C00;
	s9 =	simm.s32 $0x13400;
	s5 =	sor.u32 s6, s5  }
0x9: {  	s10 =	simm.s32 $0x13C00;
	s3 =	simm.s32 $0x0;
	s6 =	sshrl.u32 s5, $0x3  }
0xa: {  	[smem:$0x7FF] =	sst s3;
	s5 =	sshll.u32 s5, $0x5;
	s2 =	sadd.s32 s2, s6  }
0xb: {  	_ =	strace $0x80000047;
	s5 =	sadd.s32 s4, s5;
	[dreg:$0x4] =	wrdreg s2  }
0xc: {  	s11 =	simm.s32 $0x14400;
	s19 =	sadd.s32 $0x1000, s5;
	[dreg:$0xc] =	wrdreg s5  }
0xd: {  	s13 =	simm.s32 $0x14C00;
	s20 =	sadd.s32 $0x2000, s5;
	[dreg:$0x5] =	wrdreg s19  }
0xe: {  	s0 =	ssub.s32 $0x2, s0;
	s21 =	sadd.s32 $0x3000, s5;
	[dreg:$0x6] =	wrdreg s20  }
0xf: {  	s24 =	sshrl.u32 s0, $0x1;
	s22 =	sadd.s32 $0x4000, s5;
	[dreg:$0x7] =	wrdreg s21  }
0x10: {  	s0 =	ssub.s32 s0, s24;
	s23 =	sadd.s32 $0x5000, s5;
	[dreg:$0x8] =	wrdreg s22  }
0x11: {  	s24 =	simm.s32 $0x16C00;
	s25 =	sadd.s32 $0x6000, s5;
	[dreg:$0x9] =	wrdreg s23  }
0x12: {  	s4 =	simm.s32 $0x11400;
	s26 =	sadd.s32 $0x7000, s5;
	[dreg:$0xa] =	wrdreg s25  }
0x13: {  	v2 =	vlaneseq.u32;
	s6 =	simm.s32 $0x11C00;
	s5 =	smax.u32 s0, $0x1;
	[dreg:$0xb] =	wrdreg s26  }
0x14: {  	vm0 =	vmmov $0xffff;
	v1 =	vshrl.u32 v2, $0x3;
	s23 =	simm.s32 $0x8400;
	s20 =	simm.s32 $0x15400;
	s21 =	simm.s32 $0x15C00  }
0x15: {  	v0 =	vand.u32 $0x7, v2;
	v2 =	vor.u32 $0x8, v2;
	v1 =	vmul.u32 $0x8, v1;
	s22 =	simm.s32 $0x16400;
	s25 =	simm.s32 $0x17400;
	s26 =	simm.s32 $0x17C00  }
.LBB2_1:
0x16: {  	s19 =	rddreg [dreg:$0x4];
	s0 =	simm.s32 $0x7  }
0x17: {  	[tilespmem:s3], [sflag:$0x7] =	stream.linear.gather [hbm4b:s19+s3], $0x400, $0x38;
	[tilespmem:$0x18400] =	vst v63  }
0x18: {  	_ =	swait.ge [sflag:s0], $0x400  }
0x19: {  	[sflag:s0] =	ssyncset.done $0x0  }
0x1a: {  	[sflag:s0] =	ssyncadd.s32 $0xFFFFFC00  }
0x1b: {  	v3 =	vld [tilespmem:$0x0];
	_ =	sdelay $0x4  }
0x1c: {  	v4 =	vshll.u32 v3, $0x1  }
0x1d: {  	v3 =	vand.u32 $0x7, v3;
	v4 =	vand.u32 $0xFFFFFFF0, v4  }
0x1e: {  	v3 =	vor.u32 v3, v4  }
0x1f: {  	v4 =	vperm.xlane v3, v0;
	_ =	sdelay $0x1  }
0x20: {  	v3 =	vperm.xlane v3, v2;
	v4 =	vadd.s32 v1, v4;
	_ =	sdelay $0x1  }
0x21: {  	v3 =	vadd.s32 v1, v3;
	_ =	sdelay $0x2  }
0x22: {  	[tilespmem:s28], [sflag:$0x1] =	stream.indirect_vreg.gather [hbm4b:s1+s3], $0x80, v4, vm0, $0xb8;
	[tilespmem:$0x18400] =	vst v63  }
0x23: {  	s0 =	simm.s32 $0xC00  }
0x24: {  	[tilespmem:s0], [sflag:$0x1] =	stream.indirect_vreg.gather [hbm4b:s1+s3], $0x80, v3, vm0, $0xb8;
	[tilespmem:$0x18400] =	vst v63  }
0x25: {  	v3 =	vld [tilespmem:$0x10];
	_ =	sdelay $0x4  }
0x26: {  	v57 =	vshll.u32 v3, $0x1  }
0x27: {  	v3 =	vand.u32 $0x7, v3;
	v4 =	vand.u32 $0xFFFFFFF0, v57  }
0x28: {  	v3 =	vor.u32 v3, v4  }
0x29: {  	v4 =	vperm.xlane v3, v0;
	_ =	sdelay $0x1  }
0x2a: {  	v3 =	vperm.xlane v3, v2;
	v4 =	vadd.s32 v1, v4;
	_ =	sdelay $0x1  }
0x2b: {  	v3 =	vadd.s32 v1, v3;
	_ =	sdelay $0x1  }
0x2c: {  	s2 =	simm.s32 $0x1400  }
0x2d: {  	[tilespmem:s2], [sflag:$0x1] =	stream.indirect_vreg.gather [hbm4b:s1+s3], $0x80, v4, vm0, $0xb8;
	[tilespmem:$0x18400] =	vst v63  }
0x2e: {  	s19 =	simm.s32 $0x1C00  }
0x2f: {  	[tilespmem:s19], [sflag:$0x1] =	stream.indirect_vreg.gather [hbm4b:s1+s3], $0x80, v3, vm0, $0xb8;
	[tilespmem:$0x18400] =	vst v63  }
0x30: {  	v3 =	vld [tilespmem:$0x20];
	_ =	sdelay $0x4  }
0x31: {  	v58 =	vshll.u32 v3, $0x1  }
0x32: {  	v3 =	vand.u32 $0x7, v3;
	v4 =	vand.u32 $0xFFFFFFF0, v58  }
0x33: {  	v3 =	vor.u32 v3, v4  }
0x34: {  	v4 =	vperm.xlane v3, v0;
	_ =	sdelay $0x1  }
0x35: {  	v3 =	vperm.xlane v3, v2;
	v4 =	vadd.s32 v1, v4;
	_ =	sdelay $0x1  }
0x36: {  	v3 =	vadd.s32 v1, v3;
	_ =	sdelay $0x1  }
0x37: {  	s2 =	simm.s32 $0x2400  }
0x38: {  	[tilespmem:s2], [sflag:$0x1] =	stream.indirect_vreg.gather [hbm4b:s1+s3], $0x80, v4, vm0, $0xb8;
	[tilespmem:$0x18400] =	vst v63  }
0x39: {  	s19 =	simm.s32 $0x2C00  }
0x3a: {  	[tilespmem:s19], [sflag:$0x1] =	stream.indirect_vreg.gather [hbm4b:s1+s3], $0x80, v3, vm0, $0xb8;
	[tilespmem:$0x18400] =	vst v63  }
0x3b: {  	v3 =	vld [tilespmem:$0x30];
	_ =	sdelay $0x4  }
0x3c: {  	v59 =	vshll.u32 v3, $0x1  }
0x3d: {  	v3 =	vand.u32 $0x7, v3;
	v4 =	vand.u32 $0xFFFFFFF0, v59  }
0x3e: {  	v3 =	vor.u32 v3, v4  }
0x3f: {  	v4 =	vperm.xlane v3, v0;
	_ =	sdelay $0x1  }
0x40: {  	v3 =	vperm.xlane v3, v2;
	v4 =	vadd.s32 v1, v4;
	_ =	sdelay $0x1  }
0x41: {  	v3 =	vadd.s32 v1, v3;
	_ =	sdelay $0x1  }
0x42: {  	s2 =	simm.s32 $0x3400  }
0x43: {  	[tilespmem:s2], [sflag:$0x1] =	stream.indirect_vreg.gather [hbm4b:s1+s3], $0x80, v4, vm0, $0xb8;
	[tilespmem:$0x18400] =	vst v63  }
0x44: {  	s19 =	simm.s32 $0x3C00  }
0x45: {  	[tilespmem:s19], [sflag:$0x1] =	stream.indirect_vreg.gather [hbm4b:s1+s3], $0x80, v3, vm0, $0xb8;
	[tilespmem:$0x18400] =	vst v63  }
0x46: {  	v3 =	vld [tilespmem:$0x40];
	_ =	sdelay $0x4  }
0x47: {  	v60 =	vshll.u32 v3, $0x1  }
0x48: {  	v3 =	vand.u32 $0x7, v3;
	v4 =	vand.u32 $0xFFFFFFF0, v60  }
0x49: {  	v3 =	vor.u32 v3, v4  }
0x4a: {  	v4 =	vperm.xlane v3, v0;
	_ =	sdelay $0x1  }
0x4b: {  	v3 =	vperm.xlane v3, v2;
	v4 =	vadd.s32 v1, v4;
	_ =	sdelay $0x1  }
0x4c: {  	v3 =	vadd.s32 v1, v3;
	_ =	sdelay $0x2  }
0x4d: {  	[tilespmem:s29], [sflag:$0x1] =	stream.indirect_vreg.gather [hbm4b:s1+s3], $0x80, v4, vm0, $0xb8;
	[tilespmem:$0x18400] =	vst v63  }
0x4e: {  	_ = 	snop  }
0x4f: {  	[tilespmem:s30], [sflag:$0x1] =	stream.indirect_vreg.gather [hbm4b:s1+s3], $0x80, v3, vm0, $0xb8;
	[tilespmem:$0x18400] =	vst v63  }
0x50: {  	v3 =	vld [tilespmem:$0x50];
	_ =	sdelay $0x4  }
0x51: {  	v61 =	vshll.u32 v3, $0x1  }
0x52: {  	v3 =	vand.u32 $0x7, v3;
	v4 =	vand.u32 $0xFFFFFFF0, v61  }
0x53: {  	v3 =	vor.u32 v3, v4  }
0x54: {  	v4 =	vperm.xlane v3, v0;
	_ =	sdelay $0x1  }
0x55: {  	v3 =	vperm.xlane v3, v2;
	v4 =	vadd.s32 v1, v4;
	_ =	sdelay $0x1  }
0x56: {  	v3 =	vadd.s32 v1, v3;
	_ =	sdelay $0x2  }
0x57: {  	[tilespmem:s31], [sflag:$0x1] =	stream.indirect_vreg.gather [hbm4b:s1+s3], $0x80, v4, vm0, $0xb8;
	[tilespmem:$0x18400] =	vst v63  }
0x58: {  	s2 =	simm.s32 $0x5C00  }
0x59: {  	[tilespmem:s2], [sflag:$0x1] =	stream.indirect_vreg.gather [hbm4b:s1+s3], $0x80, v3, vm0, $0xb8;
	[tilespmem:$0x18400] =	vst v63  }
0x5a: {  	v3 =	vld [tilespmem:$0x60];
	_ =	sdelay $0x4  }
0x5b: {  	v62 =	vshll.u32 v3, $0x1  }
0x5c: {  	v3 =	vand.u32 $0x7, v3;
	v4 =	vand.u32 $0xFFFFFFF0, v62  }
0x5d: {  	v3 =	vor.u32 v3, v4  }
0x5e: {  	v4 =	vperm.xlane v3, v0;
	_ =	sdelay $0x1  }
0x5f: {  	v3 =	vperm.xlane v3, v2;
	v4 =	vadd.s32 v1, v4;
	_ =	sdelay $0x1  }
0x60: {  	v3 =	vadd.s32 v1, v3;
	_ =	sdelay $0x1  }
0x61: {  	s19 =	simm.s32 $0x6400  }
0x62: {  	[tilespmem:s19], [sflag:$0x1] =	stream.indirect_vreg.gather [hbm4b:s1+s3], $0x80, v4, vm0, $0xb8;
	[tilespmem:$0x18400] =	vst v63  }
0x63: {  	s2 =	simm.s32 $0x6C00  }
0x64: {  	[tilespmem:s2], [sflag:$0x1] =	stream.indirect_vreg.gather [hbm4b:s1+s3], $0x80, v3, vm0, $0xb8;
	[tilespmem:$0x18400] =	vst v63  }
0x65: {  	v3 =	vld [tilespmem:$0x70];
	_ =	sdelay $0x4  }
0x66: {  	v63 =	vshll.u32 v3, $0x1  }
0x67: {  	v3 =	vand.u32 $0x7, v3;
	v4 =	vand.u32 $0xFFFFFFF0, v63  }
0x68: {  	v3 =	vor.u32 v3, v4  }
0x69: {  	v4 =	vperm.xlane v3, v0;
	_ =	sdelay $0x1  }
0x6a: {  	v3 =	vperm.xlane v3, v2;
	v4 =	vadd.s32 v1, v4;
	_ =	sdelay $0x1  }
0x6b: {  	v3 =	vadd.s32 v1, v3;
	_ =	sdelay $0x1  }
0x6c: {  	s19 =	simm.s32 $0x7400  }
0x6d: {  	[tilespmem:s19], [sflag:$0x1] =	stream.indirect_vreg.gather [hbm4b:s1+s3], $0x80, v4, vm0, $0xb8;
	[tilespmem:$0x18400] =	vst v63  }
0x6e: {  	s2 =	simm.s32 $0x7C00  }
0x6f: {  	[tilespmem:s2], [sflag:$0x1] =	stream.indirect_vreg.gather [hbm4b:s1+s3], $0x80, v3, vm0, $0xb8;
	[tilespmem:$0x18400] =	vst v63  }
0x70: {  	v3 =	vld [tilespmem:$0x80];
	_ =	sdelay $0x4  }
0x71: {  	v8 =	vshll.u32 v3, $0x1  }
0x72: {  	v3 =	vand.u32 $0x7, v3;
	v4 =	vand.u32 $0xFFFFFFF0, v8  }
0x73: {  	v3 =	vor.u32 v3, v4  }
0x74: {  	v4 =	vperm.xlane v3, v0;
	_ =	sdelay $0x1  }
0x75: {  	v3 =	vperm.xlane v3, v2;
	v4 =	vadd.s32 v1, v4;
	_ =	sdelay $0x1  }
0x76: {  	v3 =	vadd.s32 v1, v3;
	_ =	sdelay $0x2  }
0x77: {  	[tilespmem:s23], [sflag:$0x2] =	stream.indirect_vreg.gather [hbm4b:s1+s3], $0x80, v4, vm0, $0xb8;
	[tilespmem:$0x18400] =	vst v63  }
0x78: {  	s19 =	simm.s32 $0x8C00  }
0x79: {  	[tilespmem:s19], [sflag:$0x2] =	stream.indirect_vreg.gather [hbm4b:s1+s3], $0x80, v3, vm0, $0xb8;
	[tilespmem:$0x18400] =	vst v63  }
0x7a: {  	v3 =	vld [tilespmem:$0x90];
	_ =	sdelay $0x4  }
0x7b: {  	v9 =	vshll.u32 v3, $0x1  }
0x7c: {  	v3 =	vand.u32 $0x7, v3;
	v4 =	vand.u32 $0xFFFFFFF0, v9  }
0x7d: {  	v3 =	vor.u32 v3, v4  }
0x7e: {  	v4 =	vperm.xlane v3, v0;
	_ =	sdelay $0x1  }
0x7f: {  	v3 =	vperm.xlane v3, v2;
	v4 =	vadd.s32 v1, v4;
	_ =	sdelay $0x1  }
0x80: {  	v3 =	vadd.s32 v1, v3;
	_ =	sdelay $0x1  }
0x81: {  	s2 =	simm.s32 $0x9400  }
0x82: {  	[tilespmem:s2], [sflag:$0x2] =	stream.indirect_vreg.gather [hbm4b:s1+s3], $0x80, v4, vm0, $0xb8;
	[tilespmem:$0x18400] =	vst v63  }
0x83: {  	s19 =	simm.s32 $0x9C00  }
0x84: {  	[tilespmem:s19], [sflag:$0x2] =	stream.indirect_vreg.gather [hbm4b:s1+s3], $0x80, v3, vm0, $0xb8;
	[tilespmem:$0x18400] =	vst v63  }
0x85: {  	v3 =	vld [tilespmem:$0xA0];
	_ =	sdelay $0x4  }
0x86: {  	v10 =	vshll.u32 v3, $0x1  }
0x87: {  	v3 =	vand.u32 $0x7, v3;
	v4 =	vand.u32 $0xFFFFFFF0, v10  }
0x88: {  	v3 =	vor.u32 v3, v4  }
0x89: {  	v4 =	vperm.xlane v3, v0;
	_ =	sdelay $0x1  }
0x8a: {  	v3 =	vperm.xlane v3, v2;
	v4 =	vadd.s32 v1, v4;
	_ =	sdelay $0x1  }
0x8b: {  	v3 =	vadd.s32 v1, v3;
	_ =	sdelay $0x1  }
0x8c: {  	s2 =	simm.s32 $0xA400  }
0x8d: {  	[tilespmem:s2], [sflag:$0x2] =	stream.indirect_vreg.gather [hbm4b:s1+s3], $0x80, v4, vm0, $0xb8;
	[tilespmem:$0x18400] =	vst v63  }
0x8e: {  	s19 =	simm.s32 $0xAC00  }
0x8f: {  	[tilespmem:s19], [sflag:$0x2] =	stream.indirect_vreg.gather [hbm4b:s1+s3], $0x80, v3, vm0, $0xb8;
	[tilespmem:$0x18400] =	vst v63  }
0x90: {  	v3 =	vld [tilespmem:$0xB0];
	_ =	sdelay $0x4  }
0x91: {  	v11 =	vshll.u32 v3, $0x1  }
0x92: {  	v3 =	vand.u32 $0x7, v3;
	v4 =	vand.u32 $0xFFFFFFF0, v11  }
0x93: {  	v3 =	vor.u32 v3, v4  }
0x94: {  	v4 =	vperm.xlane v3, v0;
	_ =	sdelay $0x1  }
0x95: {  	v3 =	vperm.xlane v3, v2;
	v4 =	vadd.s32 v1, v4;
	_ =	sdelay $0x1  }
0x96: {  	v3 =	vadd.s32 v1, v3;
	_ =	sdelay $0x1  }
0x97: {  	s2 =	simm.s32 $0xB400  }
0x98: {  	[tilespmem:s2], [sflag:$0x2] =	stream.indirect_vreg.gather [hbm4b:s1+s3], $0x80, v4, vm0, $0xb8;
	[tilespmem:$0x18400] =	vst v63  }
0x99: {  	s19 =	simm.s32 $0xBC00  }
0x9a: {  	[tilespmem:s19], [sflag:$0x2] =	stream.indirect_vreg.gather [hbm4b:s1+s3], $0x80, v3, vm0, $0xb8;
	[tilespmem:$0x18400] =	vst v63  }
0x9b: {  	v3 =	vld [tilespmem:$0xC0];
	_ =	sdelay $0x4  }
0x9c: {  	v12 =	vshll.u32 v3, $0x1  }
0x9d: {  	v3 =	vand.u32 $0x7, v3;
	v4 =	vand.u32 $0xFFFFFFF0, v12  }
0x9e: {  	v3 =	vor.u32 v3, v4  }
0x9f: {  	v4 =	vperm.xlane v3, v0;
	_ =	sdelay $0x1  }
0xa0: {  	v3 =	vperm.xlane v3, v2;
	v4 =	vadd.s32 v1, v4;
	_ =	sdelay $0x1  }
0xa1: {  	v3 =	vadd.s32 v1, v3;
	_ =	sdelay $0x1  }
0xa2: {  	s2 =	simm.s32 $0xC400  }
0xa3: {  	[tilespmem:s2], [sflag:$0x2] =	stream.indirect_vreg.gather [hbm4b:s1+s3], $0x80, v4, vm0, $0xb8;
	[tilespmem:$0x18400] =	vst v63  }
0xa4: {  	s19 =	simm.s32 $0xCC00  }
0xa5: {  	[tilespmem:s19], [sflag:$0x2] =	stream.indirect_vreg.gather [hbm4b:s1+s3], $0x80, v3, vm0, $0xb8;
	[tilespmem:$0x18400] =	vst v63  }
0xa6: {  	v3 =	vld [tilespmem:$0xD0];
	_ =	sdelay $0x4  }
0xa7: {  	v13 =	vshll.u32 v3, $0x1  }
0xa8: {  	v3 =	vand.u32 $0x7, v3;
	v4 =	vand.u32 $0xFFFFFFF0, v13  }
0xa9: {  	v3 =	vor.u32 v3, v4  }
0xaa: {  	v4 =	vperm.xlane v3, v0;
	_ =	sdelay $0x1  }
0xab: {  	v3 =	vperm.xlane v3, v2;
	v4 =	vadd.s32 v1, v4;
	_ =	sdelay $0x1  }
0xac: {  	v3 =	vadd.s32 v1, v3;
	_ =	sdelay $0x1  }
0xad: {  	s2 =	simm.s32 $0xD400  }
0xae: {  	[tilespmem:s2], [sflag:$0x2] =	stream.indirect_vreg.gather [hbm4b:s1+s3], $0x80, v4, vm0, $0xb8;
	[tilespmem:$0x18400] =	vst v63  }
0xaf: {  	s19 =	simm.s32 $0xDC00  }
0xb0: {  	[tilespmem:s19], [sflag:$0x2] =	stream.indirect_vreg.gather [hbm4b:s1+s3], $0x80, v3, vm0, $0xb8;
	[tilespmem:$0x18400] =	vst v63  }
0xb1: {  	v3 =	vld [tilespmem:$0xE0];
	_ =	sdelay $0x4  }
0xb2: {  	v14 =	vshll.u32 v3, $0x1  }
0xb3: {  	v3 =	vand.u32 $0x7, v3;
	v4 =	vand.u32 $0xFFFFFFF0, v14  }
0xb4: {  	v3 =	vor.u32 v3, v4  }
0xb5: {  	v4 =	vperm.xlane v3, v0;
	_ =	sdelay $0x1  }
0xb6: {  	v3 =	vperm.xlane v3, v2;
	v4 =	vadd.s32 v1, v4;
	_ =	sdelay $0x1  }
0xb7: {  	v3 =	vadd.s32 v1, v3;
	_ =	sdelay $0x1  }
0xb8: {  	s2 =	simm.s32 $0xE400  }
0xb9: {  	[tilespmem:s2], [sflag:$0x2] =	stream.indirect_vreg.gather [hbm4b:s1+s3], $0x80, v4, vm0, $0xb8;
	[tilespmem:$0x18400] =	vst v63  }
0xba: {  	s19 =	simm.s32 $0xEC00  }
0xbb: {  	[tilespmem:s19], [sflag:$0x2] =	stream.indirect_vreg.gather [hbm4b:s1+s3], $0x80, v3, vm0, $0xb8;
	[tilespmem:$0x18400] =	vst v63  }
0xbc: {  	v3 =	vld [tilespmem:$0xF0];
	_ =	sdelay $0x4  }
0xbd: {  	v15 =	vshll.u32 v3, $0x1  }
0xbe: {  	v3 =	vand.u32 $0x7, v3;
	v4 =	vand.u32 $0xFFFFFFF0, v15  }
0xbf: {  	v3 =	vor.u32 v3, v4  }
0xc0: {  	v4 =	vperm.xlane v3, v0;
	_ =	sdelay $0x1  }
0xc1: {  	v3 =	vperm.xlane v3, v2;
	v4 =	vadd.s32 v1, v4;
	_ =	sdelay $0x1  }
0xc2: {  	v3 =	vadd.s32 v1, v3;
	_ =	sdelay $0x1  }
0xc3: {  	s2 =	simm.s32 $0xF400  }
0xc4: {  	[tilespmem:s2], [sflag:$0x2] =	stream.indirect_vreg.gather [hbm4b:s1+s3], $0x80, v4, vm0, $0xb8;
	[tilespmem:$0x18400] =	vst v63  }
0xc5: {  	s19 =	simm.s32 $0xFC00  }
0xc6: {  	[tilespmem:s19], [sflag:$0x2] =	stream.indirect_vreg.gather [hbm4b:s1+s3], $0x80, v3, vm0, $0xb8;
	[tilespmem:$0x18400] =	vst v63  }
0xc7: {  	_ =	swait.ge [sflag:s12], $0x8000  }
0xc8: {  	[sflag:s12] =	ssyncset.done $0x0  }
0xc9: {  	s0 =	rddreg [dreg:$0xc];
	[sflag:s12] =	ssyncadd.s32 $0xFFFF8000  }
0xca: {  	[hbm4b:s0+s3] =	stream.linear.scatter [tilespmem:s28], [sflag:$0x4], $0x8000, $0x38;
	[tilespmem:$0x18400] =	vst v63  }
0xcb: {  	v3 =	vld [tilespmem:$0x100];
	_ =	sdelay $0x4  }
0xcc: {  	v16 =	vshll.u32 v3, $0x1  }
0xcd: {  	v3 =	vand.u32 $0x7, v3;
	v4 =	vand.u32 $0xFFFFFFF0, v16  }
0xce: {  	v3 =	vor.u32 v3, v4  }
0xcf: {  	v4 =	vperm.xlane v3, v0;
	_ =	sdelay $0x1  }
0xd0: {  	v3 =	vperm.xlane v3, v2;
	v4 =	vadd.s32 v1, v4;
	_ =	sdelay $0x1  }
0xd1: {  	v3 =	vadd.s32 v1, v3;
	_ =	sdelay $0x1  }
0xd2: {  	s0 =	simm.s32 $0x10400  }
0xd3: {  	[tilespmem:s0], [sflag:$0x3] =	stream.indirect_vreg.gather [hbm4b:s1+s3], $0x80, v4, vm0, $0xb8;
	[tilespmem:$0x18400] =	vst v63  }
0xd4: {  	s2 =	simm.s32 $0x10C00  }
0xd5: {  	[tilespmem:s2], [sflag:$0x3] =	stream.indirect_vreg.gather [hbm4b:s1+s3], $0x80, v3, vm0, $0xb8;
	[tilespmem:$0x18400] =	vst v63  }
0xd6: {  	v3 =	vld [tilespmem:$0x110];
	_ =	sdelay $0x4  }
0xd7: {  	v17 =	vshll.u32 v3, $0x1  }
0xd8: {  	v3 =	vand.u32 $0x7, v3;
	v4 =	vand.u32 $0xFFFFFFF0, v17  }
0xd9: {  	v3 =	vor.u32 v3, v4  }
0xda: {  	v4 =	vperm.xlane v3, v0;
	_ =	sdelay $0x1  }
0xdb: {  	v3 =	vperm.xlane v3, v2;
	v4 =	vadd.s32 v1, v4;
	_ =	sdelay $0x1  }
0xdc: {  	v3 =	vadd.s32 v1, v3;
	_ =	sdelay $0x2  }
0xdd: {  	[tilespmem:s4], [sflag:$0x3] =	stream.indirect_vreg.gather [hbm4b:s1+s3], $0x80, v4, vm0, $0xb8;
	[tilespmem:$0x18400] =	vst v63  }
0xde: {  	_ = 	snop  }
0xdf: {  	[tilespmem:s6], [sflag:$0x3] =	stream.indirect_vreg.gather [hbm4b:s1+s3], $0x80, v3, vm0, $0xb8;
	[tilespmem:$0x18400] =	vst v63  }
0xe0: {  	v3 =	vld [tilespmem:$0x120];
	_ =	sdelay $0x4  }
0xe1: {  	v18 =	vshll.u32 v3, $0x1  }
0xe2: {  	v3 =	vand.u32 $0x7, v3;
	v4 =	vand.u32 $0xFFFFFFF0, v18  }
0xe3: {  	v3 =	vor.u32 v3, v4  }
0xe4: {  	v4 =	vperm.xlane v3, v0;
	_ =	sdelay $0x1  }
0xe5: {  	v3 =	vperm.xlane v3, v2;
	v4 =	vadd.s32 v1, v4;
	_ =	sdelay $0x1  }
0xe6: {  	v3 =	vadd.s32 v1, v3;
	_ =	sdelay $0x2  }
0xe7: {  	[tilespmem:s7], [sflag:$0x3] =	stream.indirect_vreg.gather [hbm4b:s1+s3], $0x80, v4, vm0, $0xb8;
	[tilespmem:$0x18400] =	vst v63  }
0xe8: {  	_ = 	snop  }
0xe9: {  	[tilespmem:s8], [sflag:$0x3] =	stream.indirect_vreg.gather [hbm4b:s1+s3], $0x80, v3, vm0, $0xb8;
	[tilespmem:$0x18400] =	vst v63  }
0xea: {  	v3 =	vld [tilespmem:$0x130];
	_ =	sdelay $0x4  }
0xeb: {  	v19 =	vshll.u32 v3, $0x1  }
0xec: {  	v3 =	vand.u32 $0x7, v3;
	v4 =	vand.u32 $0xFFFFFFF0, v19  }
0xed: {  	v3 =	vor.u32 v3, v4  }
0xee: {  	v4 =	vperm.xlane v3, v0;
	_ =	sdelay $0x1  }
0xef: {  	v3 =	vperm.xlane v3, v2;
	v4 =	vadd.s32 v1, v4;
	_ =	sdelay $0x1  }
0xf0: {  	v3 =	vadd.s32 v1, v3;
	_ =	sdelay $0x2  }
0xf1: {  	[tilespmem:s9], [sflag:$0x3] =	stream.indirect_vreg.gather [hbm4b:s1+s3], $0x80, v4, vm0, $0xb8;
	[tilespmem:$0x18400] =	vst v63  }
0xf2: {  	_ = 	snop  }
0xf3: {  	[tilespmem:s10], [sflag:$0x3] =	stream.indirect_vreg.gather [hbm4b:s1+s3], $0x80, v3, vm0, $0xb8;
	[tilespmem:$0x18400] =	vst v63  }
0xf4: {  	v3 =	vld [tilespmem:$0x140];
	_ =	sdelay $0x4  }
0xf5: {  	v20 =	vshll.u32 v3, $0x1  }
0xf6: {  	v3 =	vand.u32 $0x7, v3;
	v4 =	vand.u32 $0xFFFFFFF0, v20  }
0xf7: {  	v3 =	vor.u32 v3, v4  }
0xf8: {  	v4 =	vperm.xlane v3, v0;
	_ =	sdelay $0x1  }
0xf9: {  	v3 =	vperm.xlane v3, v2;
	v4 =	vadd.s32 v1, v4;
	_ =	sdelay $0x1  }
0xfa: {  	v3 =	vadd.s32 v1, v3;
	_ =	sdelay $0x2  }
0xfb: {  	[tilespmem:s11], [sflag:$0x3] =	stream.indirect_vreg.gather [hbm4b:s1+s3], $0x80, v4, vm0, $0xb8;
	[tilespmem:$0x18400] =	vst v63  }
0xfc: {  	_ = 	snop  }
0xfd: {  	[tilespmem:s13], [sflag:$0x3] =	stream.indirect_vreg.gather [hbm4b:s1+s3], $0x80, v3, vm0, $0xb8;
	[tilespmem:$0x18400] =	vst v63  }
0xfe: {  	v3 =	vld [tilespmem:$0x150];
	_ =	sdelay $0x4  }
0xff: {  	v21 =	vshll.u32 v3, $0x1  }
0x100: {  	v3 =	vand.u32 $0x7, v3;
	v4 =	vand.u32 $0xFFFFFFF0, v21  }
0x101: {  	v3 =	vor.u32 v3, v4  }
0x102: {  	v4 =	vperm.xlane v3, v0;
	_ =	sdelay $0x1  }
0x103: {  	v3 =	vperm.xlane v3, v2;
	v4 =	vadd.s32 v1, v4;
	_ =	sdelay $0x1  }
0x104: {  	v3 =	vadd.s32 v1, v3;
	_ =	sdelay $0x2  }
0x105: {  	[tilespmem:s20], [sflag:$0x3] =	stream.indirect_vreg.gather [hbm4b:s1+s3], $0x80, v4, vm0, $0xb8;
	[tilespmem:$0x18400] =	vst v63  }
0x106: {  	_ = 	snop  }
0x107: {  	[tilespmem:s21], [sflag:$0x3] =	stream.indirect_vreg.gather [hbm4b:s1+s3], $0x80, v3, vm0, $0xb8;
	[tilespmem:$0x18400] =	vst v63  }
0x108: {  	v3 =	vld [tilespmem:$0x160];
	_ =	sdelay $0x4  }
0x109: {  	v22 =	vshll.u32 v3, $0x1  }
0x10a: {  	v3 =	vand.u32 $0x7, v3;
	v4 =	vand.u32 $0xFFFFFFF0, v22  }
0x10b: {  	v3 =	vor.u32 v3, v4  }
0x10c: {  	v4 =	vperm.xlane v3, v0;
	_ =	sdelay $0x1  }
0x10d: {  	v3 =	vperm.xlane v3, v2;
	v4 =	vadd.s32 v1, v4;
	_ =	sdelay $0x1  }
0x10e: {  	v3 =	vadd.s32 v1, v3;
	_ =	sdelay $0x2  }
0x10f: {  	[tilespmem:s22], [sflag:$0x3] =	stream.indirect_vreg.gather [hbm4b:s1+s3], $0x80, v4, vm0, $0xb8;
	[tilespmem:$0x18400] =	vst v63  }
0x110: {  	_ = 	snop  }
0x111: {  	[tilespmem:s24], [sflag:$0x3] =	stream.indirect_vreg.gather [hbm4b:s1+s3], $0x80, v3, vm0, $0xb8;
	[tilespmem:$0x18400] =	vst v63  }
0x112: {  	v3 =	vld [tilespmem:$0x170];
	_ =	sdelay $0x4  }
0x113: {  	v23 =	vshll.u32 v3, $0x1  }
0x114: {  	v3 =	vand.u32 $0x7, v3;
	v4 =	vand.u32 $0xFFFFFFF0, v23  }
0x115: {  	v3 =	vor.u32 v3, v4  }
0x116: {  	v4 =	vperm.xlane v3, v0;
	_ =	sdelay $0x1  }
0x117: {  	v3 =	vperm.xlane v3, v2;
	v4 =	vadd.s32 v1, v4;
	_ =	sdelay $0x1  }
0x118: {  	v3 =	vadd.s32 v1, v3;
	_ =	sdelay $0x2  }
0x119: {  	[tilespmem:s25], [sflag:$0x3] =	stream.indirect_vreg.gather [hbm4b:s1+s3], $0x80, v4, vm0, $0xb8;
	[tilespmem:$0x18400] =	vst v63  }
0x11a: {  	_ = 	snop  }
0x11b: {  	[tilespmem:s26], [sflag:$0x3] =	stream.indirect_vreg.gather [hbm4b:s1+s3], $0x80, v3, vm0, $0xb8;
	[tilespmem:$0x18400] =	vst v63  }
0x11c: {  	_ =	swait.ge [sflag:s14], $0x8000  }
0x11d: {  	[sflag:s14] =	ssyncset.done $0x0  }
0x11e: {  	s19 =	rddreg [dreg:$0x5];
	[sflag:s14] =	ssyncadd.s32 $0xFFFF8000  }
0x11f: {  	[hbm4b:s19+s3] =	stream.linear.scatter [tilespmem:s23], [sflag:$0x5], $0x8000, $0x38;
	[tilespmem:$0x18400] =	vst v63  }
0x120: {  	_ =	swait.ge [sflag:s15], $0x8000  }
0x121: {  	[sflag:s15] =	ssyncset.done $0x0  }
0x122: {  	[sflag:s15] =	ssyncadd.s32 $0xFFFF8000  }
0x123: {  	v3 =	vld [tilespmem:$0x180];
	_ =	sdelay $0x4  }
0x124: {  	v24 =	vshll.u32 v3, $0x1  }
0x125: {  	v3 =	vand.u32 $0x7, v3;
	v4 =	vand.u32 $0xFFFFFFF0, v24  }
0x126: {  	v3 =	vor.u32 v3, v4  }
0x127: {  	v4 =	vperm.xlane v3, v0;
	_ =	sdelay $0x1  }
0x128: {  	v3 =	vperm.xlane v3, v2;
	v4 =	vadd.s32 v1, v4;
	_ =	sdelay $0x1  }
0x129: {  	v3 =	vadd.s32 v1, v3;
	_ =	sdelay $0x2  }
0x12a: {  	[tilespmem:s28], [sflag:$0x1] =	stream.indirect_vreg.gather [hbm4b:s1+s3], $0x80, v4, vm0, $0xb8;
	[tilespmem:$0x18400] =	vst v63  }
0x12b: {  	s19 =	simm.s32 $0xC00  }
0x12c: {  	[tilespmem:s19], [sflag:$0x1] =	stream.indirect_vreg.gather [hbm4b:s1+s3], $0x80, v3, vm0, $0xb8;
	[tilespmem:$0x18400] =	vst v63  }
0x12d: {  	v3 =	vld [tilespmem:$0x190];
	_ =	sdelay $0x4  }
0x12e: {  	v25 =	vshll.u32 v3, $0x1  }
0x12f: {  	v3 =	vand.u32 $0x7, v3;
	v4 =	vand.u32 $0xFFFFFFF0, v25  }
0x130: {  	v3 =	vor.u32 v3, v4  }
0x131: {  	v4 =	vperm.xlane v3, v0;
	_ =	sdelay $0x1  }
0x132: {  	v3 =	vperm.xlane v3, v2;
	v4 =	vadd.s32 v1, v4;
	_ =	sdelay $0x1  }
0x133: {  	v3 =	vadd.s32 v1, v3;
	_ =	sdelay $0x1  }
0x134: {  	s19 =	simm.s32 $0x1400  }
0x135: {  	[tilespmem:s19], [sflag:$0x1] =	stream.indirect_vreg.gather [hbm4b:s1+s3], $0x80, v4, vm0, $0xb8;
	[tilespmem:$0x18400] =	vst v63  }
0x136: {  	s19 =	simm.s32 $0x1C00  }
0x137: {  	[tilespmem:s19], [sflag:$0x1] =	stream.indirect_vreg.gather [hbm4b:s1+s3], $0x80, v3, vm0, $0xb8;
	[tilespmem:$0x18400] =	vst v63  }
0x138: {  	v3 =	vld [tilespmem:$0x1A0];
	_ =	sdelay $0x4  }
0x139: {  	v26 =	vshll.u32 v3, $0x1  }
0x13a: {  	v3 =	vand.u32 $0x7, v3;
	v4 =	vand.u32 $0xFFFFFFF0, v26  }
0x13b: {  	v3 =	vor.u32 v3, v4  }
0x13c: {  	v4 =	vperm.xlane v3, v0;
	_ =	sdelay $0x1  }
0x13d: {  	v3 =	vperm.xlane v3, v2;
	v4 =	vadd.s32 v1, v4;
	_ =	sdelay $0x1  }
0x13e: {  	v3 =	vadd.s32 v1, v3;
	_ =	sdelay $0x1  }
0x13f: {  	s19 =	simm.s32 $0x2400  }
0x140: {  	[tilespmem:s19], [sflag:$0x1] =	stream.indirect_vreg.gather [hbm4b:s1+s3], $0x80, v4, vm0, $0xb8;
	[tilespmem:$0x18400] =	vst v63  }
0x141: {  	s19 =	simm.s32 $0x2C00  }
0x142: {  	[tilespmem:s19], [sflag:$0x1] =	stream.indirect_vreg.gather [hbm4b:s1+s3], $0x80, v3, vm0, $0xb8;
	[tilespmem:$0x18400] =	vst v63  }
0x143: {  	v3 =	vld [tilespmem:$0x1B0];
	_ =	sdelay $0x4  }
0x144: {  	v27 =	vshll.u32 v3, $0x1  }
0x145: {  	v3 =	vand.u32 $0x7, v3;
	v4 =	vand.u32 $0xFFFFFFF0, v27  }
0x146: {  	v3 =	vor.u32 v3, v4  }
0x147: {  	v4 =	vperm.xlane v3, v0;
	_ =	sdelay $0x1  }
0x148: {  	v3 =	vperm.xlane v3, v2;
	v4 =	vadd.s32 v1, v4;
	_ =	sdelay $0x1  }
0x149: {  	v3 =	vadd.s32 v1, v3;
	_ =	sdelay $0x1  }
0x14a: {  	s19 =	simm.s32 $0x3400  }
0x14b: {  	[tilespmem:s19], [sflag:$0x1] =	stream.indirect_vreg.gather [hbm4b:s1+s3], $0x80, v4, vm0, $0xb8;
	[tilespmem:$0x18400] =	vst v63  }
0x14c: {  	s19 =	simm.s32 $0x3C00  }
0x14d: {  	[tilespmem:s19], [sflag:$0x1] =	stream.indirect_vreg.gather [hbm4b:s1+s3], $0x80, v3, vm0, $0xb8;
	[tilespmem:$0x18400] =	vst v63  }
0x14e: {  	v3 =	vld [tilespmem:$0x1C0];
	_ =	sdelay $0x4  }
0x14f: {  	v28 =	vshll.u32 v3, $0x1  }
0x150: {  	v3 =	vand.u32 $0x7, v3;
	v4 =	vand.u32 $0xFFFFFFF0, v28  }
0x151: {  	v3 =	vor.u32 v3, v4  }
0x152: {  	v4 =	vperm.xlane v3, v0;
	_ =	sdelay $0x1  }
0x153: {  	v3 =	vperm.xlane v3, v2;
	v4 =	vadd.s32 v1, v4;
	_ =	sdelay $0x1  }
0x154: {  	v3 =	vadd.s32 v1, v3;
	_ =	sdelay $0x2  }
0x155: {  	[tilespmem:s29], [sflag:$0x1] =	stream.indirect_vreg.gather [hbm4b:s1+s3], $0x80, v4, vm0, $0xb8;
	[tilespmem:$0x18400] =	vst v63  }
0x156: {  	_ = 	snop  }
0x157: {  	[tilespmem:s30], [sflag:$0x1] =	stream.indirect_vreg.gather [hbm4b:s1+s3], $0x80, v3, vm0, $0xb8;
	[tilespmem:$0x18400] =	vst v63  }
0x158: {  	v3 =	vld [tilespmem:$0x1D0];
	_ =	sdelay $0x4  }
0x159: {  	v29 =	vshll.u32 v3, $0x1  }
0x15a: {  	v3 =	vand.u32 $0x7, v3;
	v4 =	vand.u32 $0xFFFFFFF0, v29  }
0x15b: {  	v3 =	vor.u32 v3, v4  }
0x15c: {  	v4 =	vperm.xlane v3, v0;
	_ =	sdelay $0x1  }
0x15d: {  	v3 =	vperm.xlane v3, v2;
	v4 =	vadd.s32 v1, v4;
	_ =	sdelay $0x1  }
0x15e: {  	v3 =	vadd.s32 v1, v3;
	_ =	sdelay $0x2  }
0x15f: {  	[tilespmem:s31], [sflag:$0x1] =	stream.indirect_vreg.gather [hbm4b:s1+s3], $0x80, v4, vm0, $0xb8;
	[tilespmem:$0x18400] =	vst v63  }
0x160: {  	s19 =	simm.s32 $0x5C00  }
0x161: {  	[tilespmem:s19], [sflag:$0x1] =	stream.indirect_vreg.gather [hbm4b:s1+s3], $0x80, v3, vm0, $0xb8;
	[tilespmem:$0x18400] =	vst v63  }
0x162: {  	v3 =	vld [tilespmem:$0x1E0];
	_ =	sdelay $0x4  }
0x163: {  	v30 =	vshll.u32 v3, $0x1  }
0x164: {  	v3 =	vand.u32 $0x7, v3;
	v4 =	vand.u32 $0xFFFFFFF0, v30  }
0x165: {  	v3 =	vor.u32 v3, v4  }
0x166: {  	v4 =	vperm.xlane v3, v0;
	_ =	sdelay $0x1  }
0x167: {  	v3 =	vperm.xlane v3, v2;
	v4 =	vadd.s32 v1, v4;
	_ =	sdelay $0x1  }
0x168: {  	v3 =	vadd.s32 v1, v3;
	_ =	sdelay $0x1  }
0x169: {  	s19 =	simm.s32 $0x6400  }
0x16a: {  	[tilespmem:s19], [sflag:$0x1] =	stream.indirect_vreg.gather [hbm4b:s1+s3], $0x80, v4, vm0, $0xb8;
	[tilespmem:$0x18400] =	vst v63  }
0x16b: {  	s19 =	simm.s32 $0x6C00  }
0x16c: {  	[tilespmem:s19], [sflag:$0x1] =	stream.indirect_vreg.gather [hbm4b:s1+s3], $0x80, v3, vm0, $0xb8;
	[tilespmem:$0x18400] =	vst v63  }
0x16d: {  	v3 =	vld [tilespmem:$0x1F0];
	_ =	sdelay $0x4  }
0x16e: {  	v31 =	vshll.u32 v3, $0x1  }
0x16f: {  	v3 =	vand.u32 $0x7, v3;
	v4 =	vand.u32 $0xFFFFFFF0, v31  }
0x170: {  	v3 =	vor.u32 v3, v4  }
0x171: {  	v4 =	vperm.xlane v3, v0;
	_ =	sdelay $0x1  }
0x172: {  	v3 =	vperm.xlane v3, v2;
	v4 =	vadd.s32 v1, v4;
	_ =	sdelay $0x1  }
0x173: {  	v3 =	vadd.s32 v1, v3;
	_ =	sdelay $0x1  }
0x174: {  	s19 =	simm.s32 $0x7400  }
0x175: {  	[tilespmem:s19], [sflag:$0x1] =	stream.indirect_vreg.gather [hbm4b:s1+s3], $0x80, v4, vm0, $0xb8;
	[tilespmem:$0x18400] =	vst v63  }
0x176: {  	s19 =	simm.s32 $0x7C00  }
0x177: {  	[tilespmem:s19], [sflag:$0x1] =	stream.indirect_vreg.gather [hbm4b:s1+s3], $0x80, v3, vm0, $0xb8;
	[tilespmem:$0x18400] =	vst v63  }
0x178: {  	_ =	swait.ge [sflag:s16], $0x8000  }
0x179: {  	[sflag:s16] =	ssyncset.done $0x0  }
0x17a: {  	s19 =	rddreg [dreg:$0x6];
	[sflag:s16] =	ssyncadd.s32 $0xFFFF8000  }
0x17b: {  	[hbm4b:s19+s3] =	stream.linear.scatter [tilespmem:s0], [sflag:$0x6], $0x8000, $0x38;
	[tilespmem:$0x18400] =	vst v63  }
0x17c: {  	_ =	swait.ge [sflag:s17], $0x8000  }
0x17d: {  	[sflag:s17] =	ssyncset.done $0x0  }
0x17e: {  	[sflag:s17] =	ssyncadd.s32 $0xFFFF8000  }
0x17f: {  	v3 =	vld [tilespmem:$0x200];
	_ =	sdelay $0x4  }
0x180: {  	v32 =	vshll.u32 v3, $0x1  }
0x181: {  	v3 =	vand.u32 $0x7, v3;
	v4 =	vand.u32 $0xFFFFFFF0, v32  }
0x182: {  	v3 =	vor.u32 v3, v4  }
0x183: {  	v4 =	vperm.xlane v3, v0;
	_ =	sdelay $0x1  }
0x184: {  	v3 =	vperm.xlane v3, v2;
	v4 =	vadd.s32 v1, v4;
	_ =	sdelay $0x1  }
0x185: {  	v3 =	vadd.s32 v1, v3;
	_ =	sdelay $0x2  }
0x186: {  	[tilespmem:s23], [sflag:$0x2] =	stream.indirect_vreg.gather [hbm4b:s1+s3], $0x80, v4, vm0, $0xb8;
	[tilespmem:$0x18400] =	vst v63  }
0x187: {  	s19 =	simm.s32 $0x8C00  }
0x188: {  	[tilespmem:s19], [sflag:$0x2] =	stream.indirect_vreg.gather [hbm4b:s1+s3], $0x80, v3, vm0, $0xb8;
	[tilespmem:$0x18400] =	vst v63  }
0x189: {  	v3 =	vld [tilespmem:$0x210];
	_ =	sdelay $0x4  }
0x18a: {  	v33 =	vshll.u32 v3, $0x1  }
0x18b: {  	v3 =	vand.u32 $0x7, v3;
	v4 =	vand.u32 $0xFFFFFFF0, v33  }
0x18c: {  	v3 =	vor.u32 v3, v4  }
0x18d: {  	v4 =	vperm.xlane v3, v0;
	_ =	sdelay $0x1  }
0x18e: {  	v3 =	vperm.xlane v3, v2;
	v4 =	vadd.s32 v1, v4;
	_ =	sdelay $0x1  }
0x18f: {  	v3 =	vadd.s32 v1, v3;
	_ =	sdelay $0x1  }
0x190: {  	s19 =	simm.s32 $0x9400  }
0x191: {  	[tilespmem:s19], [sflag:$0x2] =	stream.indirect_vreg.gather [hbm4b:s1+s3], $0x80, v4, vm0, $0xb8;
	[tilespmem:$0x18400] =	vst v63  }
0x192: {  	s19 =	simm.s32 $0x9C00  }
0x193: {  	[tilespmem:s19], [sflag:$0x2] =	stream.indirect_vreg.gather [hbm4b:s1+s3], $0x80, v3, vm0, $0xb8;
	[tilespmem:$0x18400] =	vst v63  }
0x194: {  	v3 =	vld [tilespmem:$0x220];
	_ =	sdelay $0x4  }
0x195: {  	v34 =	vshll.u32 v3, $0x1  }
0x196: {  	v3 =	vand.u32 $0x7, v3;
	v4 =	vand.u32 $0xFFFFFFF0, v34  }
0x197: {  	v3 =	vor.u32 v3, v4  }
0x198: {  	v4 =	vperm.xlane v3, v0;
	_ =	sdelay $0x1  }
0x199: {  	v3 =	vperm.xlane v3, v2;
	v4 =	vadd.s32 v1, v4;
	_ =	sdelay $0x1  }
0x19a: {  	v3 =	vadd.s32 v1, v3;
	_ =	sdelay $0x1  }
0x19b: {  	s19 =	simm.s32 $0xA400  }
0x19c: {  	[tilespmem:s19], [sflag:$0x2] =	stream.indirect_vreg.gather [hbm4b:s1+s3], $0x80, v4, vm0, $0xb8;
	[tilespmem:$0x18400] =	vst v63  }
0x19d: {  	s19 =	simm.s32 $0xAC00  }
0x19e: {  	[tilespmem:s19], [sflag:$0x2] =	stream.indirect_vreg.gather [hbm4b:s1+s3], $0x80, v3, vm0, $0xb8;
	[tilespmem:$0x18400] =	vst v63  }
0x19f: {  	v3 =	vld [tilespmem:$0x230];
	_ =	sdelay $0x4  }
0x1a0: {  	v35 =	vshll.u32 v3, $0x1  }
0x1a1: {  	v3 =	vand.u32 $0x7, v3;
	v4 =	vand.u32 $0xFFFFFFF0, v35  }
0x1a2: {  	v3 =	vor.u32 v3, v4  }
0x1a3: {  	v4 =	vperm.xlane v3, v0;
	_ =	sdelay $0x1  }
0x1a4: {  	v3 =	vperm.xlane v3, v2;
	v4 =	vadd.s32 v1, v4;
	_ =	sdelay $0x1  }
0x1a5: {  	v3 =	vadd.s32 v1, v3;
	_ =	sdelay $0x1  }
0x1a6: {  	s19 =	simm.s32 $0xB400  }
0x1a7: {  	[tilespmem:s19], [sflag:$0x2] =	stream.indirect_vreg.gather [hbm4b:s1+s3], $0x80, v4, vm0, $0xb8;
	[tilespmem:$0x18400] =	vst v63  }
0x1a8: {  	s19 =	simm.s32 $0xBC00  }
0x1a9: {  	[tilespmem:s19], [sflag:$0x2] =	stream.indirect_vreg.gather [hbm4b:s1+s3], $0x80, v3, vm0, $0xb8;
	[tilespmem:$0x18400] =	vst v63  }
0x1aa: {  	v3 =	vld [tilespmem:$0x240];
	_ =	sdelay $0x4  }
0x1ab: {  	v36 =	vshll.u32 v3, $0x1  }
0x1ac: {  	v3 =	vand.u32 $0x7, v3;
	v4 =	vand.u32 $0xFFFFFFF0, v36  }
0x1ad: {  	v3 =	vor.u32 v3, v4  }
0x1ae: {  	v4 =	vperm.xlane v3, v0;
	_ =	sdelay $0x1  }
0x1af: {  	v3 =	vperm.xlane v3, v2;
	v4 =	vadd.s32 v1, v4;
	_ =	sdelay $0x1  }
0x1b0: {  	v3 =	vadd.s32 v1, v3;
	_ =	sdelay $0x1  }
0x1b1: {  	s19 =	simm.s32 $0xC400  }
0x1b2: {  	[tilespmem:s19], [sflag:$0x2] =	stream.indirect_vreg.gather [hbm4b:s1+s3], $0x80, v4, vm0, $0xb8;
	[tilespmem:$0x18400] =	vst v63  }
0x1b3: {  	s19 =	simm.s32 $0xCC00  }
0x1b4: {  	[tilespmem:s19], [sflag:$0x2] =	stream.indirect_vreg.gather [hbm4b:s1+s3], $0x80, v3, vm0, $0xb8;
	[tilespmem:$0x18400] =	vst v63  }
0x1b5: {  	v3 =	vld [tilespmem:$0x250];
	_ =	sdelay $0x4  }
0x1b6: {  	v37 =	vshll.u32 v3, $0x1  }
0x1b7: {  	v3 =	vand.u32 $0x7, v3;
	v4 =	vand.u32 $0xFFFFFFF0, v37  }
0x1b8: {  	v3 =	vor.u32 v3, v4  }
0x1b9: {  	v4 =	vperm.xlane v3, v0;
	_ =	sdelay $0x1  }
0x1ba: {  	v3 =	vperm.xlane v3, v2;
	v4 =	vadd.s32 v1, v4;
	_ =	sdelay $0x1  }
0x1bb: {  	v3 =	vadd.s32 v1, v3;
	_ =	sdelay $0x1  }
0x1bc: {  	s19 =	simm.s32 $0xD400  }
0x1bd: {  	[tilespmem:s19], [sflag:$0x2] =	stream.indirect_vreg.gather [hbm4b:s1+s3], $0x80, v4, vm0, $0xb8;
	[tilespmem:$0x18400] =	vst v63  }
0x1be: {  	s19 =	simm.s32 $0xDC00  }
0x1bf: {  	[tilespmem:s19], [sflag:$0x2] =	stream.indirect_vreg.gather [hbm4b:s1+s3], $0x80, v3, vm0, $0xb8;
	[tilespmem:$0x18400] =	vst v63  }
0x1c0: {  	v3 =	vld [tilespmem:$0x260];
	_ =	sdelay $0x4  }
0x1c1: {  	v38 =	vshll.u32 v3, $0x1  }
0x1c2: {  	v3 =	vand.u32 $0x7, v3;
	v4 =	vand.u32 $0xFFFFFFF0, v38  }
0x1c3: {  	v3 =	vor.u32 v3, v4  }
0x1c4: {  	v4 =	vperm.xlane v3, v0;
	_ =	sdelay $0x1  }
0x1c5: {  	v3 =	vperm.xlane v3, v2;
	v4 =	vadd.s32 v1, v4;
	_ =	sdelay $0x1  }
0x1c6: {  	v3 =	vadd.s32 v1, v3;
	_ =	sdelay $0x1  }
0x1c7: {  	s19 =	simm.s32 $0xE400  }
0x1c8: {  	[tilespmem:s19], [sflag:$0x2] =	stream.indirect_vreg.gather [hbm4b:s1+s3], $0x80, v4, vm0, $0xb8;
	[tilespmem:$0x18400] =	vst v63  }
0x1c9: {  	s19 =	simm.s32 $0xEC00  }
0x1ca: {  	[tilespmem:s19], [sflag:$0x2] =	stream.indirect_vreg.gather [hbm4b:s1+s3], $0x80, v3, vm0, $0xb8;
	[tilespmem:$0x18400] =	vst v63  }
0x1cb: {  	v3 =	vld [tilespmem:$0x270];
	_ =	sdelay $0x4  }
0x1cc: {  	v39 =	vshll.u32 v3, $0x1  }
0x1cd: {  	v3 =	vand.u32 $0x7, v3;
	v4 =	vand.u32 $0xFFFFFFF0, v39  }
0x1ce: {  	v3 =	vor.u32 v3, v4  }
0x1cf: {  	v4 =	vperm.xlane v3, v0;
	_ =	sdelay $0x1  }
0x1d0: {  	v3 =	vperm.xlane v3, v2;
	v4 =	vadd.s32 v1, v4;
	_ =	sdelay $0x1  }
0x1d1: {  	v3 =	vadd.s32 v1, v3;
	_ =	sdelay $0x1  }
0x1d2: {  	s19 =	simm.s32 $0xF400  }
0x1d3: {  	[tilespmem:s19], [sflag:$0x2] =	stream.indirect_vreg.gather [hbm4b:s1+s3], $0x80, v4, vm0, $0xb8;
	[tilespmem:$0x18400] =	vst v63  }
0x1d4: {  	s19 =	simm.s32 $0xFC00  }
0x1d5: {  	[tilespmem:s19], [sflag:$0x2] =	stream.indirect_vreg.gather [hbm4b:s1+s3], $0x80, v3, vm0, $0xb8;
	[tilespmem:$0x18400] =	vst v63  }
0x1d6: {  	_ =	swait.ge [sflag:s12], $0x8000  }
0x1d7: {  	[sflag:s12] =	ssyncset.done $0x0  }
0x1d8: {  	s19 =	rddreg [dreg:$0x7];
	[sflag:s12] =	ssyncadd.s32 $0xFFFF8000  }
0x1d9: {  	[hbm4b:s19+s3] =	stream.linear.scatter [tilespmem:s28], [sflag:$0x4], $0x8000, $0x38;
	[tilespmem:$0x18400] =	vst v63  }
0x1da: {  	_ =	swait.ge [sflag:s18], $0x8000  }
0x1db: {  	[sflag:s18] =	ssyncset.done $0x0  }
0x1dc: {  	[sflag:s18] =	ssyncadd.s32 $0xFFFF8000  }
0x1dd: {  	v3 =	vld [tilespmem:$0x280];
	_ =	sdelay $0x4  }
0x1de: {  	v40 =	vshll.u32 v3, $0x1  }
0x1df: {  	v3 =	vand.u32 $0x7, v3;
	v4 =	vand.u32 $0xFFFFFFF0, v40  }
0x1e0: {  	v3 =	vor.u32 v3, v4  }
0x1e1: {  	v4 =	vperm.xlane v3, v0;
	_ =	sdelay $0x1  }
0x1e2: {  	v3 =	vperm.xlane v3, v2;
	v4 =	vadd.s32 v1, v4;
	_ =	sdelay $0x1  }
0x1e3: {  	v3 =	vadd.s32 v1, v3;
	_ =	sdelay $0x2  }
0x1e4: {  	[tilespmem:s0], [sflag:$0x3] =	stream.indirect_vreg.gather [hbm4b:s1+s3], $0x80, v4, vm0, $0xb8;
	[tilespmem:$0x18400] =	vst v63  }
0x1e5: {  	_ = 	snop  }
0x1e6: {  	[tilespmem:s2], [sflag:$0x3] =	stream.indirect_vreg.gather [hbm4b:s1+s3], $0x80, v3, vm0, $0xb8;
	[tilespmem:$0x18400] =	vst v63  }
0x1e7: {  	v3 =	vld [tilespmem:$0x290];
	_ =	sdelay $0x4  }
0x1e8: {  	v41 =	vshll.u32 v3, $0x1  }
0x1e9: {  	v3 =	vand.u32 $0x7, v3;
	v4 =	vand.u32 $0xFFFFFFF0, v41  }
0x1ea: {  	v3 =	vor.u32 v3, v4  }
0x1eb: {  	v4 =	vperm.xlane v3, v0;
	_ =	sdelay $0x1  }
0x1ec: {  	v3 =	vperm.xlane v3, v2;
	v4 =	vadd.s32 v1, v4;
	_ =	sdelay $0x1  }
0x1ed: {  	v3 =	vadd.s32 v1, v3;
	_ =	sdelay $0x2  }
0x1ee: {  	[tilespmem:s4], [sflag:$0x3] =	stream.indirect_vreg.gather [hbm4b:s1+s3], $0x80, v4, vm0, $0xb8;
	[tilespmem:$0x18400] =	vst v63  }
0x1ef: {  	_ = 	snop  }
0x1f0: {  	[tilespmem:s6], [sflag:$0x3] =	stream.indirect_vreg.gather [hbm4b:s1+s3], $0x80, v3, vm0, $0xb8;
	[tilespmem:$0x18400] =	vst v63  }
0x1f1: {  	v3 =	vld [tilespmem:$0x2A0];
	_ =	sdelay $0x4  }
0x1f2: {  	v42 =	vshll.u32 v3, $0x1  }
0x1f3: {  	v3 =	vand.u32 $0x7, v3;
	v4 =	vand.u32 $0xFFFFFFF0, v42  }
0x1f4: {  	v3 =	vor.u32 v3, v4  }
0x1f5: {  	v4 =	vperm.xlane v3, v0;
	_ =	sdelay $0x1  }
0x1f6: {  	v3 =	vperm.xlane v3, v2;
	v4 =	vadd.s32 v1, v4;
	_ =	sdelay $0x1  }
0x1f7: {  	v3 =	vadd.s32 v1, v3;
	_ =	sdelay $0x2  }
0x1f8: {  	[tilespmem:s7], [sflag:$0x3] =	stream.indirect_vreg.gather [hbm4b:s1+s3], $0x80, v4, vm0, $0xb8;
	[tilespmem:$0x18400] =	vst v63  }
0x1f9: {  	_ = 	snop  }
0x1fa: {  	[tilespmem:s8], [sflag:$0x3] =	stream.indirect_vreg.gather [hbm4b:s1+s3], $0x80, v3, vm0, $0xb8;
	[tilespmem:$0x18400] =	vst v63  }
0x1fb: {  	v3 =	vld [tilespmem:$0x2B0];
	_ =	sdelay $0x4  }
0x1fc: {  	v43 =	vshll.u32 v3, $0x1  }
0x1fd: {  	v3 =	vand.u32 $0x7, v3;
	v4 =	vand.u32 $0xFFFFFFF0, v43  }
0x1fe: {  	v3 =	vor.u32 v3, v4  }
0x1ff: {  	v4 =	vperm.xlane v3, v0;
	_ =	sdelay $0x1  }
0x200: {  	v3 =	vperm.xlane v3, v2;
	v4 =	vadd.s32 v1, v4;
	_ =	sdelay $0x1  }
0x201: {  	v3 =	vadd.s32 v1, v3;
	_ =	sdelay $0x2  }
0x202: {  	[tilespmem:s9], [sflag:$0x3] =	stream.indirect_vreg.gather [hbm4b:s1+s3], $0x80, v4, vm0, $0xb8;
	[tilespmem:$0x18400] =	vst v63  }
0x203: {  	_ = 	snop  }
0x204: {  	[tilespmem:s10], [sflag:$0x3] =	stream.indirect_vreg.gather [hbm4b:s1+s3], $0x80, v3, vm0, $0xb8;
	[tilespmem:$0x18400] =	vst v63  }
0x205: {  	v3 =	vld [tilespmem:$0x2C0];
	_ =	sdelay $0x4  }
0x206: {  	v44 =	vshll.u32 v3, $0x1  }
0x207: {  	v3 =	vand.u32 $0x7, v3;
	v4 =	vand.u32 $0xFFFFFFF0, v44  }
0x208: {  	v3 =	vor.u32 v3, v4  }
0x209: {  	v4 =	vperm.xlane v3, v0;
	_ =	sdelay $0x1  }
0x20a: {  	v3 =	vperm.xlane v3, v2;
	v4 =	vadd.s32 v1, v4;
	_ =	sdelay $0x1  }
0x20b: {  	v3 =	vadd.s32 v1, v3;
	_ =	sdelay $0x2  }
0x20c: {  	[tilespmem:s11], [sflag:$0x3] =	stream.indirect_vreg.gather [hbm4b:s1+s3], $0x80, v4, vm0, $0xb8;
	[tilespmem:$0x18400] =	vst v63  }
0x20d: {  	_ = 	snop  }
0x20e: {  	[tilespmem:s13], [sflag:$0x3] =	stream.indirect_vreg.gather [hbm4b:s1+s3], $0x80, v3, vm0, $0xb8;
	[tilespmem:$0x18400] =	vst v63  }
0x20f: {  	v3 =	vld [tilespmem:$0x2D0];
	_ =	sdelay $0x4  }
0x210: {  	v45 =	vshll.u32 v3, $0x1  }
0x211: {  	v3 =	vand.u32 $0x7, v3;
	v4 =	vand.u32 $0xFFFFFFF0, v45  }
0x212: {  	v3 =	vor.u32 v3, v4  }
0x213: {  	v4 =	vperm.xlane v3, v0;
	_ =	sdelay $0x1  }
0x214: {  	v3 =	vperm.xlane v3, v2;
	v4 =	vadd.s32 v1, v4;
	_ =	sdelay $0x1  }
0x215: {  	v3 =	vadd.s32 v1, v3;
	_ =	sdelay $0x2  }
0x216: {  	[tilespmem:s20], [sflag:$0x3] =	stream.indirect_vreg.gather [hbm4b:s1+s3], $0x80, v4, vm0, $0xb8;
	[tilespmem:$0x18400] =	vst v63  }
0x217: {  	_ = 	snop  }
0x218: {  	[tilespmem:s21], [sflag:$0x3] =	stream.indirect_vreg.gather [hbm4b:s1+s3], $0x80, v3, vm0, $0xb8;
	[tilespmem:$0x18400] =	vst v63  }
0x219: {  	v3 =	vld [tilespmem:$0x2E0];
	_ =	sdelay $0x4  }
0x21a: {  	v46 =	vshll.u32 v3, $0x1  }
0x21b: {  	v3 =	vand.u32 $0x7, v3;
	v4 =	vand.u32 $0xFFFFFFF0, v46  }
0x21c: {  	v3 =	vor.u32 v3, v4  }
0x21d: {  	v4 =	vperm.xlane v3, v0;
	_ =	sdelay $0x1  }
0x21e: {  	v3 =	vperm.xlane v3, v2;
	v4 =	vadd.s32 v1, v4;
	_ =	sdelay $0x1  }
0x21f: {  	v3 =	vadd.s32 v1, v3;
	_ =	sdelay $0x2  }
0x220: {  	[tilespmem:s22], [sflag:$0x3] =	stream.indirect_vreg.gather [hbm4b:s1+s3], $0x80, v4, vm0, $0xb8;
	[tilespmem:$0x18400] =	vst v63  }
0x221: {  	_ = 	snop  }
0x222: {  	[tilespmem:s24], [sflag:$0x3] =	stream.indirect_vreg.gather [hbm4b:s1+s3], $0x80, v3, vm0, $0xb8;
	[tilespmem:$0x18400] =	vst v63  }
0x223: {  	v3 =	vld [tilespmem:$0x2F0];
	_ =	sdelay $0x4  }
0x224: {  	v47 =	vshll.u32 v3, $0x1  }
0x225: {  	v3 =	vand.u32 $0x7, v3;
	v4 =	vand.u32 $0xFFFFFFF0, v47  }
0x226: {  	v3 =	vor.u32 v3, v4  }
0x227: {  	v4 =	vperm.xlane v3, v0;
	_ =	sdelay $0x1  }
0x228: {  	v3 =	vperm.xlane v3, v2;
	v4 =	vadd.s32 v1, v4;
	_ =	sdelay $0x1  }
0x229: {  	v3 =	vadd.s32 v1, v3;
	_ =	sdelay $0x2  }
0x22a: {  	[tilespmem:s25], [sflag:$0x3] =	stream.indirect_vreg.gather [hbm4b:s1+s3], $0x80, v4, vm0, $0xb8;
	[tilespmem:$0x18400] =	vst v63  }
0x22b: {  	_ = 	snop  }
0x22c: {  	[tilespmem:s26], [sflag:$0x3] =	stream.indirect_vreg.gather [hbm4b:s1+s3], $0x80, v3, vm0, $0xb8;
	[tilespmem:$0x18400] =	vst v63  }
0x22d: {  	_ =	swait.ge [sflag:s14], $0x8000  }
0x22e: {  	[sflag:s14] =	ssyncset.done $0x0  }
0x22f: {  	s2 =	rddreg [dreg:$0x8];
	[sflag:s14] =	ssyncadd.s32 $0xFFFF8000  }
0x230: {  	[hbm4b:s2+s3] =	stream.linear.scatter [tilespmem:s23], [sflag:$0x5], $0x8000, $0x38;
	[tilespmem:$0x18400] =	vst v63  }
0x231: {  	_ =	swait.ge [sflag:s15], $0x8000  }
0x232: {  	[sflag:s15] =	ssyncset.done $0x0  }
0x233: {  	[sflag:s15] =	ssyncadd.s32 $0xFFFF8000  }
0x234: {  	v3 =	vld [tilespmem:$0x300];
	_ =	sdelay $0x4  }
0x235: {  	v48 =	vshll.u32 v3, $0x1  }
0x236: {  	v3 =	vand.u32 $0x7, v3;
	v4 =	vand.u32 $0xFFFFFFF0, v48  }
0x237: {  	v3 =	vor.u32 v3, v4  }
0x238: {  	v4 =	vperm.xlane v3, v0;
	_ =	sdelay $0x1  }
0x239: {  	v3 =	vperm.xlane v3, v2;
	v4 =	vadd.s32 v1, v4;
	_ =	sdelay $0x1  }
0x23a: {  	v3 =	vadd.s32 v1, v3;
	_ =	sdelay $0x2  }
0x23b: {  	[tilespmem:s28], [sflag:$0x1] =	stream.indirect_vreg.gather [hbm4b:s1+s3], $0x80, v4, vm0, $0xb8;
	[tilespmem:$0x18400] =	vst v63  }
0x23c: {  	s19 =	simm.s32 $0xC00  }
0x23d: {  	[tilespmem:s19], [sflag:$0x1] =	stream.indirect_vreg.gather [hbm4b:s1+s3], $0x80, v3, vm0, $0xb8;
	[tilespmem:$0x18400] =	vst v63  }
0x23e: {  	v3 =	vld [tilespmem:$0x310];
	_ =	sdelay $0x4  }
0x23f: {  	v49 =	vshll.u32 v3, $0x1  }
0x240: {  	v3 =	vand.u32 $0x7, v3;
	v4 =	vand.u32 $0xFFFFFFF0, v49  }
0x241: {  	v3 =	vor.u32 v3, v4  }
0x242: {  	v4 =	vperm.xlane v3, v0;
	_ =	sdelay $0x1  }
0x243: {  	v3 =	vperm.xlane v3, v2;
	v4 =	vadd.s32 v1, v4;
	_ =	sdelay $0x1  }
0x244: {  	v3 =	vadd.s32 v1, v3;
	_ =	sdelay $0x1  }
0x245: {  	s19 =	simm.s32 $0x1400  }
0x246: {  	[tilespmem:s19], [sflag:$0x1] =	stream.indirect_vreg.gather [hbm4b:s1+s3], $0x80, v4, vm0, $0xb8;
	[tilespmem:$0x18400] =	vst v63  }
0x247: {  	s19 =	simm.s32 $0x1C00  }
0x248: {  	[tilespmem:s19], [sflag:$0x1] =	stream.indirect_vreg.gather [hbm4b:s1+s3], $0x80, v3, vm0, $0xb8;
	[tilespmem:$0x18400] =	vst v63  }
0x249: {  	v3 =	vld [tilespmem:$0x320];
	_ =	sdelay $0x4  }
0x24a: {  	v50 =	vshll.u32 v3, $0x1  }
0x24b: {  	v3 =	vand.u32 $0x7, v3;
	v4 =	vand.u32 $0xFFFFFFF0, v50  }
0x24c: {  	v3 =	vor.u32 v3, v4  }
0x24d: {  	v4 =	vperm.xlane v3, v0;
	_ =	sdelay $0x1  }
0x24e: {  	v3 =	vperm.xlane v3, v2;
	v4 =	vadd.s32 v1, v4;
	_ =	sdelay $0x1  }
0x24f: {  	v3 =	vadd.s32 v1, v3;
	_ =	sdelay $0x1  }
0x250: {  	s19 =	simm.s32 $0x2400  }
0x251: {  	[tilespmem:s19], [sflag:$0x1] =	stream.indirect_vreg.gather [hbm4b:s1+s3], $0x80, v4, vm0, $0xb8;
	[tilespmem:$0x18400] =	vst v63  }
0x252: {  	s19 =	simm.s32 $0x2C00  }
0x253: {  	[tilespmem:s19], [sflag:$0x1] =	stream.indirect_vreg.gather [hbm4b:s1+s3], $0x80, v3, vm0, $0xb8;
	[tilespmem:$0x18400] =	vst v63  }
0x254: {  	v3 =	vld [tilespmem:$0x330];
	_ =	sdelay $0x4  }
0x255: {  	v51 =	vshll.u32 v3, $0x1  }
0x256: {  	v3 =	vand.u32 $0x7, v3;
	v4 =	vand.u32 $0xFFFFFFF0, v51  }
0x257: {  	v3 =	vor.u32 v3, v4  }
0x258: {  	v4 =	vperm.xlane v3, v0;
	_ =	sdelay $0x1  }
0x259: {  	v3 =	vperm.xlane v3, v2;
	v4 =	vadd.s32 v1, v4;
	_ =	sdelay $0x1  }
0x25a: {  	v3 =	vadd.s32 v1, v3;
	_ =	sdelay $0x1  }
0x25b: {  	s19 =	simm.s32 $0x3400  }
0x25c: {  	[tilespmem:s19], [sflag:$0x1] =	stream.indirect_vreg.gather [hbm4b:s1+s3], $0x80, v4, vm0, $0xb8;
	[tilespmem:$0x18400] =	vst v63  }
0x25d: {  	s19 =	simm.s32 $0x3C00  }
0x25e: {  	[tilespmem:s19], [sflag:$0x1] =	stream.indirect_vreg.gather [hbm4b:s1+s3], $0x80, v3, vm0, $0xb8;
	[tilespmem:$0x18400] =	vst v63  }
0x25f: {  	v3 =	vld [tilespmem:$0x340];
	_ =	sdelay $0x4  }
0x260: {  	v52 =	vshll.u32 v3, $0x1  }
0x261: {  	v3 =	vand.u32 $0x7, v3;
	v4 =	vand.u32 $0xFFFFFFF0, v52  }
0x262: {  	v3 =	vor.u32 v3, v4  }
0x263: {  	v4 =	vperm.xlane v3, v0;
	_ =	sdelay $0x1  }
0x264: {  	v3 =	vperm.xlane v3, v2;
	v4 =	vadd.s32 v1, v4;
	_ =	sdelay $0x1  }
0x265: {  	v3 =	vadd.s32 v1, v3;
	_ =	sdelay $0x2  }
0x266: {  	[tilespmem:s29], [sflag:$0x1] =	stream.indirect_vreg.gather [hbm4b:s1+s3], $0x80, v4, vm0, $0xb8;
	[tilespmem:$0x18400] =	vst v63  }
0x267: {  	_ = 	snop  }
0x268: {  	[tilespmem:s30], [sflag:$0x1] =	stream.indirect_vreg.gather [hbm4b:s1+s3], $0x80, v3, vm0, $0xb8;
	[tilespmem:$0x18400] =	vst v63  }
0x269: {  	v3 =	vld [tilespmem:$0x350];
	_ =	sdelay $0x4  }
0x26a: {  	v53 =	vshll.u32 v3, $0x1  }
0x26b: {  	v3 =	vand.u32 $0x7, v3;
	v4 =	vand.u32 $0xFFFFFFF0, v53  }
0x26c: {  	v3 =	vor.u32 v3, v4  }
0x26d: {  	v4 =	vperm.xlane v3, v0;
	_ =	sdelay $0x1  }
0x26e: {  	v3 =	vperm.xlane v3, v2;
	v4 =	vadd.s32 v1, v4;
	_ =	sdelay $0x1  }
0x26f: {  	v3 =	vadd.s32 v1, v3;
	_ =	sdelay $0x2  }
0x270: {  	[tilespmem:s31], [sflag:$0x1] =	stream.indirect_vreg.gather [hbm4b:s1+s3], $0x80, v4, vm0, $0xb8;
	[tilespmem:$0x18400] =	vst v63  }
0x271: {  	s19 =	simm.s32 $0x5C00  }
0x272: {  	[tilespmem:s19], [sflag:$0x1] =	stream.indirect_vreg.gather [hbm4b:s1+s3], $0x80, v3, vm0, $0xb8;
	[tilespmem:$0x18400] =	vst v63  }
0x273: {  	v3 =	vld [tilespmem:$0x360];
	_ =	sdelay $0x4  }
0x274: {  	v54 =	vshll.u32 v3, $0x1  }
0x275: {  	v3 =	vand.u32 $0x7, v3;
	v4 =	vand.u32 $0xFFFFFFF0, v54  }
0x276: {  	v3 =	vor.u32 v3, v4  }
0x277: {  	v4 =	vperm.xlane v3, v0;
	_ =	sdelay $0x1  }
0x278: {  	v3 =	vperm.xlane v3, v2;
	v4 =	vadd.s32 v1, v4;
	_ =	sdelay $0x1  }
0x279: {  	v3 =	vadd.s32 v1, v3;
	_ =	sdelay $0x1  }
0x27a: {  	s19 =	simm.s32 $0x6400  }
0x27b: {  	[tilespmem:s19], [sflag:$0x1] =	stream.indirect_vreg.gather [hbm4b:s1+s3], $0x80, v4, vm0, $0xb8;
	[tilespmem:$0x18400] =	vst v63  }
0x27c: {  	s19 =	simm.s32 $0x6C00  }
0x27d: {  	[tilespmem:s19], [sflag:$0x1] =	stream.indirect_vreg.gather [hbm4b:s1+s3], $0x80, v3, vm0, $0xb8;
	[tilespmem:$0x18400] =	vst v63  }
0x27e: {  	v3 =	vld [tilespmem:$0x370];
	_ =	sdelay $0x4  }
0x27f: {  	v55 =	vshll.u32 v3, $0x1  }
0x280: {  	v3 =	vand.u32 $0x7, v3;
	v4 =	vand.u32 $0xFFFFFFF0, v55  }
0x281: {  	v3 =	vor.u32 v3, v4  }
0x282: {  	v4 =	vperm.xlane v3, v0;
	_ =	sdelay $0x1  }
0x283: {  	v3 =	vperm.xlane v3, v2;
	v4 =	vadd.s32 v1, v4;
	_ =	sdelay $0x1  }
0x284: {  	v3 =	vadd.s32 v1, v3;
	_ =	sdelay $0x1  }
0x285: {  	s19 =	simm.s32 $0x7400  }
0x286: {  	[tilespmem:s19], [sflag:$0x1] =	stream.indirect_vreg.gather [hbm4b:s1+s3], $0x80, v4, vm0, $0xb8;
	[tilespmem:$0x18400] =	vst v63  }
0x287: {  	s19 =	simm.s32 $0x7C00  }
0x288: {  	[tilespmem:s19], [sflag:$0x1] =	stream.indirect_vreg.gather [hbm4b:s1+s3], $0x80, v3, vm0, $0xb8;
	[tilespmem:$0x18400] =	vst v63  }
0x289: {  	_ =	swait.ge [sflag:s16], $0x8000  }
0x28a: {  	[sflag:s16] =	ssyncset.done $0x0  }
0x28b: {  	s2 =	rddreg [dreg:$0x9];
	[sflag:s16] =	ssyncadd.s32 $0xFFFF8000  }
0x28c: {  	[hbm4b:s2+s3] =	stream.linear.scatter [tilespmem:s0], [sflag:$0x6], $0x8000, $0x38;
	[tilespmem:$0x18400] =	vst v63  }
0x28d: {  	_ =	swait.ge [sflag:s17], $0x8000  }
0x28e: {  	[sflag:s17] =	ssyncset.done $0x0  }
0x28f: {  	[sflag:s17] =	ssyncadd.s32 $0xFFFF8000  }
0x290: {  	v3 =	vld [tilespmem:$0x380];
	_ =	sdelay $0x4  }
0x291: {  	v56 =	vshll.u32 v3, $0x1  }
0x292: {  	v3 =	vand.u32 $0x7, v3;
	v4 =	vand.u32 $0xFFFFFFF0, v56  }
0x293: {  	v3 =	vor.u32 v3, v4  }
0x294: {  	v4 =	vperm.xlane v3, v0;
	_ =	sdelay $0x1  }
0x295: {  	v3 =	vperm.xlane v3, v2;
	v4 =	vadd.s32 v1, v4;
	_ =	sdelay $0x1  }
0x296: {  	v3 =	vadd.s32 v1, v3;
	_ =	sdelay $0x2  }
0x297: {  	[tilespmem:s23], [sflag:$0x2] =	stream.indirect_vreg.gather [hbm4b:s1+s3], $0x80, v4, vm0, $0xb8;
	[tilespmem:$0x18400] =	vst v63  }
0x298: {  	s19 =	simm.s32 $0x8C00  }
0x299: {  	[tilespmem:s19], [sflag:$0x2] =	stream.indirect_vreg.gather [hbm4b:s1+s3], $0x80, v3, vm0, $0xb8;
	[tilespmem:$0x18400] =	vst v63  }
0x29a: {  	v3 =	vld [tilespmem:$0x390];
	_ =	sdelay $0x4  }
0x29b: {  	v57 =	vshll.u32 v3, $0x1  }
0x29c: {  	v3 =	vand.u32 $0x7, v3;
	v4 =	vand.u32 $0xFFFFFFF0, v57  }
0x29d: {  	v3 =	vor.u32 v3, v4  }
0x29e: {  	v4 =	vperm.xlane v3, v0;
	_ =	sdelay $0x1  }
0x29f: {  	v3 =	vperm.xlane v3, v2;
	v4 =	vadd.s32 v1, v4;
	_ =	sdelay $0x1  }
0x2a0: {  	v3 =	vadd.s32 v1, v3;
	_ =	sdelay $0x1  }
0x2a1: {  	s2 =	simm.s32 $0x9400  }
0x2a2: {  	[tilespmem:s2], [sflag:$0x2] =	stream.indirect_vreg.gather [hbm4b:s1+s3], $0x80, v4, vm0, $0xb8;
	[tilespmem:$0x18400] =	vst v63  }
0x2a3: {  	s19 =	simm.s32 $0x9C00  }
0x2a4: {  	[tilespmem:s19], [sflag:$0x2] =	stream.indirect_vreg.gather [hbm4b:s1+s3], $0x80, v3, vm0, $0xb8;
	[tilespmem:$0x18400] =	vst v63  }
0x2a5: {  	v3 =	vld [tilespmem:$0x3A0];
	_ =	sdelay $0x4  }
0x2a6: {  	v58 =	vshll.u32 v3, $0x1  }
0x2a7: {  	v3 =	vand.u32 $0x7, v3;
	v4 =	vand.u32 $0xFFFFFFF0, v58  }
0x2a8: {  	v3 =	vor.u32 v3, v4  }
0x2a9: {  	v4 =	vperm.xlane v3, v0;
	_ =	sdelay $0x1  }
0x2aa: {  	v3 =	vperm.xlane v3, v2;
	v4 =	vadd.s32 v1, v4;
	_ =	sdelay $0x1  }
0x2ab: {  	v3 =	vadd.s32 v1, v3;
	_ =	sdelay $0x1  }
0x2ac: {  	s2 =	simm.s32 $0xA400  }
0x2ad: {  	[tilespmem:s2], [sflag:$0x2] =	stream.indirect_vreg.gather [hbm4b:s1+s3], $0x80, v4, vm0, $0xb8;
	[tilespmem:$0x18400] =	vst v63  }
0x2ae: {  	s19 =	simm.s32 $0xAC00  }
0x2af: {  	[tilespmem:s19], [sflag:$0x2] =	stream.indirect_vreg.gather [hbm4b:s1+s3], $0x80, v3, vm0, $0xb8;
	[tilespmem:$0x18400] =	vst v63  }
0x2b0: {  	v3 =	vld [tilespmem:$0x3B0];
	_ =	sdelay $0x4  }
0x2b1: {  	v59 =	vshll.u32 v3, $0x1  }
0x2b2: {  	v3 =	vand.u32 $0x7, v3;
	v4 =	vand.u32 $0xFFFFFFF0, v59  }
0x2b3: {  	v3 =	vor.u32 v3, v4  }
0x2b4: {  	v4 =	vperm.xlane v3, v0;
	_ =	sdelay $0x1  }
0x2b5: {  	v3 =	vperm.xlane v3, v2;
	v4 =	vadd.s32 v1, v4;
	_ =	sdelay $0x1  }
0x2b6: {  	v3 =	vadd.s32 v1, v3;
	_ =	sdelay $0x1  }
0x2b7: {  	s2 =	simm.s32 $0xB400  }
0x2b8: {  	[tilespmem:s2], [sflag:$0x2] =	stream.indirect_vreg.gather [hbm4b:s1+s3], $0x80, v4, vm0, $0xb8;
	[tilespmem:$0x18400] =	vst v63  }
0x2b9: {  	s19 =	simm.s32 $0xBC00  }
0x2ba: {  	[tilespmem:s19], [sflag:$0x2] =	stream.indirect_vreg.gather [hbm4b:s1+s3], $0x80, v3, vm0, $0xb8;
	[tilespmem:$0x18400] =	vst v63  }
0x2bb: {  	v3 =	vld [tilespmem:$0x3C0];
	_ =	sdelay $0x4  }
0x2bc: {  	v60 =	vshll.u32 v3, $0x1  }
0x2bd: {  	v3 =	vand.u32 $0x7, v3;
	v4 =	vand.u32 $0xFFFFFFF0, v60  }
0x2be: {  	v3 =	vor.u32 v3, v4  }
0x2bf: {  	v4 =	vperm.xlane v3, v0;
	_ =	sdelay $0x1  }
0x2c0: {  	v3 =	vperm.xlane v3, v2;
	v4 =	vadd.s32 v1, v4;
	_ =	sdelay $0x1  }
0x2c1: {  	v3 =	vadd.s32 v1, v3;
	_ =	sdelay $0x1  }
0x2c2: {  	s2 =	simm.s32 $0xC400  }
0x2c3: {  	[tilespmem:s2], [sflag:$0x2] =	stream.indirect_vreg.gather [hbm4b:s1+s3], $0x80, v4, vm0, $0xb8;
	[tilespmem:$0x18400] =	vst v63  }
0x2c4: {  	s19 =	simm.s32 $0xCC00  }
0x2c5: {  	[tilespmem:s19], [sflag:$0x2] =	stream.indirect_vreg.gather [hbm4b:s1+s3], $0x80, v3, vm0, $0xb8;
	[tilespmem:$0x18400] =	vst v63  }
0x2c6: {  	v3 =	vld [tilespmem:$0x3D0];
	_ =	sdelay $0x4  }
0x2c7: {  	v61 =	vshll.u32 v3, $0x1  }
0x2c8: {  	v3 =	vand.u32 $0x7, v3;
	v4 =	vand.u32 $0xFFFFFFF0, v61  }
0x2c9: {  	v3 =	vor.u32 v3, v4  }
0x2ca: {  	v4 =	vperm.xlane v3, v0;
	_ =	sdelay $0x1  }
0x2cb: {  	v3 =	vperm.xlane v3, v2;
	v4 =	vadd.s32 v1, v4;
	_ =	sdelay $0x1  }
0x2cc: {  	v3 =	vadd.s32 v1, v3;
	_ =	sdelay $0x1  }
0x2cd: {  	s2 =	simm.s32 $0xD400  }
0x2ce: {  	[tilespmem:s2], [sflag:$0x2] =	stream.indirect_vreg.gather [hbm4b:s1+s3], $0x80, v4, vm0, $0xb8;
	[tilespmem:$0x18400] =	vst v63  }
0x2cf: {  	s19 =	simm.s32 $0xDC00  }
0x2d0: {  	[tilespmem:s19], [sflag:$0x2] =	stream.indirect_vreg.gather [hbm4b:s1+s3], $0x80, v3, vm0, $0xb8;
	[tilespmem:$0x18400] =	vst v63  }
0x2d1: {  	v3 =	vld [tilespmem:$0x3E0];
	_ =	sdelay $0x4  }
0x2d2: {  	v62 =	vshll.u32 v3, $0x1  }
0x2d3: {  	v3 =	vand.u32 $0x7, v3;
	v4 =	vand.u32 $0xFFFFFFF0, v62  }
0x2d4: {  	v3 =	vor.u32 v3, v4  }
0x2d5: {  	v4 =	vperm.xlane v3, v0;
	_ =	sdelay $0x1  }
0x2d6: {  	v3 =	vperm.xlane v3, v2;
	v4 =	vadd.s32 v1, v4;
	_ =	sdelay $0x1  }
0x2d7: {  	v3 =	vadd.s32 v1, v3;
	_ =	sdelay $0x1  }
0x2d8: {  	s2 =	simm.s32 $0xE400  }
0x2d9: {  	[tilespmem:s2], [sflag:$0x2] =	stream.indirect_vreg.gather [hbm4b:s1+s3], $0x80, v4, vm0, $0xb8;
	[tilespmem:$0x18400] =	vst v63  }
0x2da: {  	s19 =	simm.s32 $0xEC00  }
0x2db: {  	[tilespmem:s19], [sflag:$0x2] =	stream.indirect_vreg.gather [hbm4b:s1+s3], $0x80, v3, vm0, $0xb8;
	[tilespmem:$0x18400] =	vst v63  }
0x2dc: {  	v3 =	vld [tilespmem:$0x3F0];
	_ =	sdelay $0x4  }
0x2dd: {  	v63 =	vshll.u32 v3, $0x1  }
0x2de: {  	v3 =	vand.u32 $0x7, v3;
	v4 =	vand.u32 $0xFFFFFFF0, v63  }
0x2df: {  	v3 =	vor.u32 v3, v4  }
0x2e0: {  	v4 =	vperm.xlane v3, v0;
	_ =	sdelay $0x1  }
0x2e1: {  	v3 =	vperm.xlane v3, v2;
	v4 =	vadd.s32 v1, v4;
	_ =	sdelay $0x1  }
0x2e2: {  	v3 =	vadd.s32 v1, v3;
	_ =	sdelay $0x1  }
0x2e3: {  	s2 =	simm.s32 $0xF400  }
0x2e4: {  	[tilespmem:s2], [sflag:$0x2] =	stream.indirect_vreg.gather [hbm4b:s1+s3], $0x80, v4, vm0, $0xb8;
	[tilespmem:$0x18400] =	vst v63  }
0x2e5: {  	s19 =	simm.s32 $0xFC00  }
0x2e6: {  	[tilespmem:s19], [sflag:$0x2] =	stream.indirect_vreg.gather [hbm4b:s1+s3], $0x80, v3, vm0, $0xb8;
	[tilespmem:$0x18400] =	vst v63  }
0x2e7: {  	_ =	swait.ge [sflag:s12], $0x8000  }
0x2e8: {  	[sflag:s12] =	ssyncset.done $0x0  }
0x2e9: {  	s0 =	rddreg [dreg:$0xa];
	[sflag:s12] =	ssyncadd.s32 $0xFFFF8000  }
0x2ea: {  	[hbm4b:s0+s3] =	stream.linear.scatter [tilespmem:s28], [sflag:$0x4], $0x8000, $0x38;
	[tilespmem:$0x18400] =	vst v63  }
0x2eb: {  	_ =	swait.ge [sflag:s14], $0x8000  }
0x2ec: {  	[sflag:s14] =	ssyncset.done $0x0  }
0x2ed: {  	s2 =	rddreg [dreg:$0xb];
	[sflag:s14] =	ssyncadd.s32 $0xFFFF8000  }
0x2ee: {  	[hbm4b:s2+s3] =	stream.linear.scatter [tilespmem:s23], [sflag:$0x5], $0x8000, $0x38;
	[tilespmem:$0x18400] =	vst v63  }
0x2ef: {  	_ =	swait.ge [sflag:s18], $0x8000  }
0x2f0: {  	[sflag:s18] =	ssyncset.done $0x0  }
0x2f1: {  	[sflag:s18] =	ssyncadd.s32 $0xFFFF8000  }
0x2f2: {  	p0 =	sne.s32 s5, $0x1;
	_ =	swait.ge [sflag:s15], $0x8000  }
.Ltmp0:
0x2f3: {  	[sflag:s15] =	ssyncset.done $0x0;
	(pc) =	sbr.rel @p0 .LBB2_1-.Ltmp0, $4  }
0x2f4: {  	[sflag:s15] =	ssyncadd.s32 $0xFFFF8000  }
0x2f5: {  	_ =	swait.ge [sflag:s17], $0x8000  }
0x2f6: {  	[sflag:s17] =	ssyncset.done $0x0  }
0x2f7: {  	s5 =	sadd.s32 $0xFFFFFFFF, s5;
	[sflag:s17] =	ssyncadd.s32 $0xFFFF8000  }
0x2f8: {  	_ =	sfence.sel $0x180000  }
0x2f9: {  	[bflag:$0x0] =	sbarrier.arrive $0xFFFF  }
0x2fa: {  	_ =	strace $0x90000047  }
0x2fb: {  	s0 =	stileid.u32;
	[bflag:$0x2] =	sbarrier.arrive $0xFFFF  }
0x2fc: {  	p0 =	sne.s32 s0, $0x0;
	s0 =	rddreg [dreg:$0x3]  }
0x2fd: {  	s0 =	sadd.s32 @!p0 $0x100000, s0  }
0x2fe: {  	[sflag:s0] =	ssyncadd.tile.s32 @!p0 $0x1;
	_ =	shalt  }
.Lfunc_end2:
_tile_overlayer_lowered:
.L_overlay_start_2:
0x2ff: {  	(tag) =	ssettag $0x2  }
0x300: {  	s0 =	rddreg [dreg:$0x0];
	s2 =	stileid.u32  }
0x301: {  	s1 =	rddreg [dreg:$0x1];
	p0 =	sne.s32 s2, $0x0  }
0x302: {  	s3 =	rddreg [dreg:$0x2];
	[bflag:$0x3] =	sbarrier.arrive $0xFFFF;
	s2 =	simm.s32 @!p0 $0x1C07  }
0x303: {  	[timem:s3], [sflag:s2] =	dma.local @!p0 [hbm:s0], s1  }
0x304: {  	s0 =	simm.s32 @!p0 $0x7  }
0x305: {  	_ =	swait.ge @!p0 [sflag:s0], s1  }
0x306: {  	s1 =	ssub.s32 @!p0 $0x0, s1;
	[sflag:s0] =	ssyncset.done @!p0 $0x0  }
0x307: {  	[sflag:s0] =	ssyncadd.s32 @!p0 s1  }
0x308: {  	[bflag:$0x3] =	sbarrier.arrive $0xFFFF  }
0x309: {  	_ =	shalt  }

</sc_bundles>
